<compile_context>
chip_gen: v7x
topology: tpu7x:2x2x1
jax: 0.10.2.dev20260603
libtpu: 0.0.44.dev20260713+nightly
codegen_flags: <defaults>
</compile_context>

<pallas_src>
import functools

import jax
import jax.numpy as jnp
from jax import lax
from jax.experimental import pallas as pl
from jax.experimental.pallas import tpu as pltpu
from jax.experimental.pallas import tpu_sc as plsc

_NC = 2
_NS = 16
_NW = _NC * _NS
_L = 16

_CIN = 11
_COUT = 19
_PLN = 24

_PASS = ((2, 6), (3, 7), (4, 8), (5, 9), (8, 16), (9, 17), (10, 18))
_EMB = ((0, 0, 0), (1, 1, 3), (2, 6, 10), (3, 7, 13))


def _tec_body(n_elem, chunk, x_hbm, f_hbm, out_hbm, xv, ov, fv):
    ept = n_elem // _NW
    n_chunks = ept // chunk
    groups = chunk // _L

    wid = lax.axis_index("s") * _NC + lax.axis_index("c")
    cbase = wid * n_chunks

    pltpu.sync_copy(f_hbm, fv)

    iota = lax.iota(jnp.int32, _L)
    e_off = iota * _CIN

    def chunk_body(ci, carry):
        cb = cbase + ci
        pltpu.sync_copy(
            x_hbm.at[pl.ds(cb * (chunk * _CIN), chunk * _CIN)], xv)

        @plsc.parallel_loop(0, groups, unroll=8)
        def group_body(g):
            xb = g * (_L * _CIN)
            ob = g * _L
            for c, j in _PASS:
                v = plsc.load_gather(xv, [xb + c + e_off])
                ov[pl.ds(j * chunk + ob, _L)] = v.astype(jnp.float32)
            for t, c, j0 in _EMB:
                v = plsc.load_gather(xv, [xb + c + e_off])
                for k in range(3):
                    val = plsc.load_gather(fv, [v + (t * 3 + k) * 8])
                    ov[pl.ds((j0 + k) * chunk + ob, _L)] = val

        pltpu.sync_copy(
            ov, out_hbm.at[pl.ds(cb * (chunk * _PLN), chunk * _PLN)])
        return carry

    lax.fori_loop(0, n_chunks, chunk_body, 0)


def _relayout_body(chunk, in_ref, out_ref):
    rows = chunk // 128
    a = in_ref[...].reshape(_PLN, rows, 128)[:_COUT]
    out_ref[...] = a.transpose(1, 2, 0).reshape(chunk, _COUT)


def kernel(x, W_slot, W_day, W_util, W_plan):
    B, T, C = x.shape
    n_elem = B * T
    xf = x.reshape(n_elem * _CIN)

    tabs = jnp.stack([
        jnp.pad(W_slot[:7], ((0, 1), (0, 0))),
        jnp.pad(W_day[:7], ((0, 1), (0, 0))),
        jnp.pad(W_util[:7], ((0, 1), (0, 0))),
        jnp.pad(W_plan[:7], ((0, 1), (0, 0))),
    ])
    F = jnp.transpose(tabs, (0, 2, 1)).reshape(96)

    chunk = 2048
    n_blocks = n_elem // chunk
    mesh = plsc.VectorSubcoreMesh(core_axis_name="c", subcore_axis_name="s")
    od = pl.kernel(
        functools.partial(_tec_body, n_elem, chunk),
        out_type=jax.ShapeDtypeStruct((n_elem * _PLN,), jnp.float32),
        mesh=mesh,
        compiler_params=pltpu.CompilerParams(needs_layout_passes=False),
        scratch_types=[
            pltpu.VMEM((chunk * _CIN,), jnp.int32),
            pltpu.VMEM((chunk * _PLN,), jnp.float32),
            pltpu.VMEM((96,), jnp.float32),
        ],
    )(xf, F)

    planar = od.reshape(n_elem * _PLN // 128, 128)
    out = pl.pallas_call(
        functools.partial(_relayout_body, chunk),
        grid=(n_blocks,),
        in_specs=[pl.BlockSpec((_PLN * chunk // 128, 128), lambda i: (i, 0))],
        out_specs=pl.BlockSpec((chunk, _COUT), lambda i: (i, 0)),
        out_shape=jax.ShapeDtypeStruct((n_elem, _COUT), jnp.float32),
        compiler_params=pltpu.CompilerParams(
            dimension_semantics=("arbitrary",)),
    )(planar)
    return out.reshape(B, T, _COUT)

# --- scband reference (transcript-rebuilt; emitter-appended) ---
"""Pipeline reference for scband-time-embedding-64905545777473 (READ-ONLY COPY).

The authoritative reference and input builder live on the scoring server;
editing this copy changes nothing except your own understanding.
"""

import jax, jax.numpy as jnp
import numpy as np


def setup_inputs(seed: int = 0) -> dict:
    key = jax.random.key(seed)
    k1, k2, k3, k4, k5 = jax.random.split(key, 5)
    x = jax.random.randint(k1, (16384, 200, 11), 0, 7, dtype=jnp.int32)
    W_slot = jax.random.normal(k2, (96, 3), dtype=jnp.float32)
    W_day = jax.random.normal(k3, (7, 3), dtype=jnp.float32)
    W_util = jax.random.normal(k4, (10, 3), dtype=jnp.float32)
    W_plan = jax.random.normal(k5, (36, 3), dtype=jnp.float32)
    return {"x": x, "W_slot": W_slot, "W_day": W_day, "W_util": W_util, "W_plan": W_plan}


def reference(x, W_slot, W_day, W_util, W_plan):
    x_slot = jnp.take(W_slot, x[..., 0], axis=0)
    x_day = jnp.take(W_day, x[..., 1], axis=0)
    x_util = jnp.take(W_util, x[..., 6], axis=0)
    x_plan = jnp.take(W_plan, x[..., 7], axis=0)
    mid = x[..., 2:6].astype(jnp.float32)
    tail = x[..., 8:].astype(jnp.float32)
    out = jnp.concatenate((x_slot, x_day, mid, x_util, x_plan, tail), axis=-1)
    return out

if __name__ == "__main__":
    import jax
    _d = setup_inputs()
    print(jax.jit(kernel)(*tuple(_d.values())))

</pallas_src>

<mosaic_0001>
#map = affine_map<(d0, d1) -> (0)>
module attributes {stable_mosaic.version = 14 : i64} {
  func.func @_tec_body(%arg0: i32, %arg1: i32, %arg2: memref<36044800xi32, #tpu.memory_space<hbm>>, %arg3: memref<96xf32, #tpu.memory_space<hbm>>, %arg4: memref<78643200xf32, #tpu.memory_space<hbm>>, %arg5: memref<22528xi32, #tpu.memory_space<vmem>>, %arg6: memref<49152xf32, #tpu.memory_space<vmem>>, %arg7: memref<96xf32, #tpu.memory_space<vmem>>) attributes {dimension_semantics = [#tpu.dimension_semantics<core_parallel>, #tpu.dimension_semantics<subcore_parallel>], iteration_bounds = array<i64: 2, 16>, scalar_prefetch = 0 : i64, scratch_operands = 3 : i64, tpu.core_type = #tpu.core_type<sc_vector_subcore>, window_params = [{transform_indices = #map}, {transform_indices = #map}, {transform_indices = #map}]} {
    %mul3A = arith.constant 2 : i32
    %mul3A_0 = arith.muli %arg1, %mul3A : i32
    %add3A = arith.addi %mul3A_0, %arg0 : i32
    %mul3A_1 = arith.constant 50 : i32
    %mul3A_2 = arith.muli %add3A, %mul3A_1 : i32
    "tpu.region"() ({
      %run_scoped3A = tpu.sem_alloc : memref<!tpu.dma_semaphore, #tpu.memory_space<semaphore_mem>>
      tpu.enqueue_dma source(%arg3 : memref<96xf32, #tpu.memory_space<hbm>>) target(%arg7 : memref<96xf32, #tpu.memory_space<vmem>>) target_semaphore(%run_scoped3A : memref<!tpu.dma_semaphore, #tpu.memory_space<semaphore_mem>>)
      tpu.wait_dma2 semaphore(%run_scoped3A : memref<!tpu.dma_semaphore, #tpu.memory_space<semaphore_mem>>) src(%arg3 : memref<96xf32, #tpu.memory_space<hbm>>) dst(%arg7 : memref<96xf32, #tpu.memory_space<vmem>>)
      tpu.yield
    }) : () -> ()
    %iota3A = tpu.iota {dimensions = array<i32: 0>} : vector<16xi32>
    %mul3A_3 = arith.constant 11 : i32
    %mul3A_4 = vector.broadcast %mul3A_3 : i32 to vector<16xi32>
    %mul3A_5 = arith.muli %iota3A, %mul3A_4 : vector<16xi32>
    %scan3A = arith.constant 0 : i32
    %scan3A_6 = arith.constant 0 : i32
    %scan3A_7 = arith.constant 50 : i32
    %scan3A_8 = arith.addi %scan3A_6, %scan3A_7 : i32
    %scan3A_9 = arith.constant 1 : i32
    scf.for %scan3A_11 = %scan3A_6 to %scan3A_8 step %scan3A_9  : i32 {
      %add3A_12 = arith.addi %mul3A_2, %scan3A_11 : i32
      %mul3A_13 = arith.constant 22528 : i32
      %mul3A_14 = arith.muli %add3A_12, %mul3A_13 : i32
      "tpu.region"() ({
        %run_scoped3A = tpu.sem_alloc : memref<!tpu.dma_semaphore, #tpu.memory_space<semaphore_mem>>
        %dma_start3A = tpu.memref_slice %arg2[%mul3A_14] : memref<36044800xi32, #tpu.memory_space<hbm>> -> memref<22528xi32, #tpu.memory_space<hbm>>
        %dma_start3A_19 = tpu.memref_slice %arg2[%mul3A_14] : memref<36044800xi32, #tpu.memory_space<hbm>> -> memref<22528xi32, #tpu.memory_space<hbm>>
        tpu.enqueue_dma source(%dma_start3A_19 : memref<22528xi32, #tpu.memory_space<hbm>>) target(%arg5 : memref<22528xi32, #tpu.memory_space<vmem>>) target_semaphore(%run_scoped3A : memref<!tpu.dma_semaphore, #tpu.memory_space<semaphore_mem>>)
        %dma_wait3A = tpu.memref_slice %arg2[%mul3A_14] : memref<36044800xi32, #tpu.memory_space<hbm>> -> memref<22528xi32, #tpu.memory_space<hbm>>
        %dma_wait3A_20 = tpu.memref_slice %arg2[%mul3A_14] : memref<36044800xi32, #tpu.memory_space<hbm>> -> memref<22528xi32, #tpu.memory_space<hbm>>
        tpu.wait_dma2 semaphore(%run_scoped3A : memref<!tpu.dma_semaphore, #tpu.memory_space<semaphore_mem>>) src(%dma_wait3A_20 : memref<22528xi32, #tpu.memory_space<hbm>>) dst(%arg5 : memref<22528xi32, #tpu.memory_space<vmem>>)
        tpu.yield
      }) : () -> ()
      %parallel_loop3A = arith.constant 0 : i32
      %parallel_loop3A_15 = arith.constant 128 : i32
      %parallel_loop3A_16 = arith.constant 1 : i32
      scf.for %parallel_loop3A_19 = %parallel_loop3A to %parallel_loop3A_15 step %parallel_loop3A_16  : i32 {
        %parallel_loop3A_20 = arith.constant 176 : i32
        %parallel_loop3A_21 = arith.muli %parallel_loop3A_19, %parallel_loop3A_20 : i32
        %parallel_loop3A_22 = arith.constant 16 : i32
        %parallel_loop3A_23 = arith.muli %parallel_loop3A_19, %parallel_loop3A_22 : i32
        %parallel_loop3A_24 = arith.constant 2 : i32
        %parallel_loop3A_25 = arith.addi %parallel_loop3A_21, %parallel_loop3A_24 : i32
        %parallel_loop3A_26 = vector.broadcast %parallel_loop3A_25 : i32 to vector<16xi32>
        %parallel_loop3A_27 = arith.addi %parallel_loop3A_26, %mul3A_5 : vector<16xi32>
        %parallel_loop3A_28 = tpu.vector_load_idx %arg5[%parallel_loop3A_27] : memref<22528xi32, #tpu.memory_space<vmem>>[vector<16xi32>], vector<16xi32>,
        %parallel_loop3A_29 = arith.sitofp %parallel_loop3A_28 : vector<16xi32> to vector<16xf32>
        %parallel_loop3A_30 = arith.constant 12288 : i32
        %parallel_loop3A_31 = arith.addi %parallel_loop3A_30, %parallel_loop3A_23 : i32
        %parallel_loop3A_32 = arith.index_cast %parallel_loop3A_31 : i32 to index
        %parallel_loop3A_33 = tpu.vector_load %arg6[%parallel_loop3A_32] {strides = array<i32>} : memref<49152xf32, #tpu.memory_space<vmem>>, vector<16xf32>,
        tpu.vector_store %arg6[%parallel_loop3A_32], %parallel_loop3A_29 {strides = array<i32>} : memref<49152xf32, #tpu.memory_space<vmem>>, vector<16xf32>,
        %parallel_loop3A_34 = arith.constant 3 : i32
        %parallel_loop3A_35 = arith.addi %parallel_loop3A_21, %parallel_loop3A_34 : i32
        %parallel_loop3A_36 = vector.broadcast %parallel_loop3A_35 : i32 to vector<16xi32>
        %parallel_loop3A_37 = arith.addi %parallel_loop3A_36, %mul3A_5 : vector<16xi32>
        %parallel_loop3A_38 = tpu.vector_load_idx %arg5[%parallel_loop3A_37] : memref<22528xi32, #tpu.memory_space<vmem>>[vector<16xi32>], vector<16xi32>,
        %parallel_loop3A_39 = arith.sitofp %parallel_loop3A_38 : vector<16xi32> to vector<16xf32>
        %parallel_loop3A_40 = arith.constant 14336 : i32
        %parallel_loop3A_41 = arith.addi %parallel_loop3A_40, %parallel_loop3A_23 : i32
        %parallel_loop3A_42 = arith.index_cast %parallel_loop3A_41 : i32 to index
        %parallel_loop3A_43 = tpu.vector_load %arg6[%parallel_loop3A_42] {strides = array<i32>} : memref<49152xf32, #tpu.memory_space<vmem>>, vector<16xf32>,
        tpu.vector_store %arg6[%parallel_loop3A_42], %parallel_loop3A_39 {strides = array<i32>} : memref<49152xf32, #tpu.memory_space<vmem>>, vector<16xf32>,
        %parallel_loop3A_44 = arith.constant 4 : i32
        %parallel_loop3A_45 = arith.addi %parallel_loop3A_21, %parallel_loop3A_44 : i32
        %parallel_loop3A_46 = vector.broadcast %parallel_loop3A_45 : i32 to vector<16xi32>
        %parallel_loop3A_47 = arith.addi %parallel_loop3A_46, %mul3A_5 : vector<16xi32>
        %parallel_loop3A_48 = tpu.vector_load_idx %arg5[%parallel_loop3A_47] : memref<22528xi32, #tpu.memory_space<vmem>>[vector<16xi32>], vector<16xi32>,
        %parallel_loop3A_49 = arith.sitofp %parallel_loop3A_48 : vector<16xi32> to vector<16xf32>
        %parallel_loop3A_50 = arith.constant 16384 : i32
        %parallel_loop3A_51 = arith.addi %parallel_loop3A_50, %parallel_loop3A_23 : i32
        %parallel_loop3A_52 = arith.index_cast %parallel_loop3A_51 : i32 to index
        %parallel_loop3A_53 = tpu.vector_load %arg6[%parallel_loop3A_52] {strides = array<i32>} : memref<49152xf32, #tpu.memory_space<vmem>>, vector<16xf32>,
        tpu.vector_store %arg6[%parallel_loop3A_52], %parallel_loop3A_49 {strides = array<i32>} : memref<49152xf32, #tpu.memory_space<vmem>>, vector<16xf32>,
        %parallel_loop3A_54 = arith.constant 5 : i32
        %parallel_loop3A_55 = arith.addi %parallel_loop3A_21, %parallel_loop3A_54 : i32
        %parallel_loop3A_56 = vector.broadcast %parallel_loop3A_55 : i32 to vector<16xi32>
        %parallel_loop3A_57 = arith.addi %parallel_loop3A_56, %mul3A_5 : vector<16xi32>
        %parallel_loop3A_58 = tpu.vector_load_idx %arg5[%parallel_loop3A_57] : memref<22528xi32, #tpu.memory_space<vmem>>[vector<16xi32>], vector<16xi32>,
        %parallel_loop3A_59 = arith.sitofp %parallel_loop3A_58 : vector<16xi32> to vector<16xf32>
        %parallel_loop3A_60 = arith.constant 18432 : i32
        %parallel_loop3A_61 = arith.addi %parallel_loop3A_60, %parallel_loop3A_23 : i32
        %parallel_loop3A_62 = arith.index_cast %parallel_loop3A_61 : i32 to index
        %parallel_loop3A_63 = tpu.vector_load %arg6[%parallel_loop3A_62] {strides = array<i32>} : memref<49152xf32, #tpu.memory_space<vmem>>, vector<16xf32>,
        tpu.vector_store %arg6[%parallel_loop3A_62], %parallel_loop3A_59 {strides = array<i32>} : memref<49152xf32, #tpu.memory_space<vmem>>, vector<16xf32>,
        %parallel_loop3A_64 = arith.constant 8 : i32
        %parallel_loop3A_65 = arith.addi %parallel_loop3A_21, %parallel_loop3A_64 : i32
        %parallel_loop3A_66 = vector.broadcast %parallel_loop3A_65 : i32 to vector<16xi32>
        %parallel_loop3A_67 = arith.addi %parallel_loop3A_66, %mul3A_5 : vector<16xi32>
        %parallel_loop3A_68 = tpu.vector_load_idx %arg5[%parallel_loop3A_67] : memref<22528xi32, #tpu.memory_space<vmem>>[vector<16xi32>], vector<16xi32>,
        %parallel_loop3A_69 = arith.sitofp %parallel_loop3A_68 : vector<16xi32> to vector<16xf32>
        %parallel_loop3A_70 = arith.constant 32768 : i32
        %parallel_loop3A_71 = arith.addi %parallel_loop3A_70, %parallel_loop3A_23 : i32
        %parallel_loop3A_72 = arith.index_cast %parallel_loop3A_71 : i32 to index
        %parallel_loop3A_73 = tpu.vector_load %arg6[%parallel_loop3A_72] {strides = array<i32>} : memref<49152xf32, #tpu.memory_space<vmem>>, vector<16xf32>,
        tpu.vector_store %arg6[%parallel_loop3A_72], %parallel_loop3A_69 {strides = array<i32>} : memref<49152xf32, #tpu.memory_space<vmem>>, vector<16xf32>,
        %parallel_loop3A_74 = arith.constant 9 : i32
        %parallel_loop3A_75 = arith.addi %parallel_loop3A_21, %parallel_loop3A_74 : i32
        %parallel_loop3A_76 = vector.broadcast %parallel_loop3A_75 : i32 to vector<16xi32>
        %parallel_loop3A_77 = arith.addi %parallel_loop3A_76, %mul3A_5 : vector<16xi32>
        %parallel_loop3A_78 = tpu.vector_load_idx %arg5[%parallel_loop3A_77] : memref<22528xi32, #tpu.memory_space<vmem>>[vector<16xi32>], vector<16xi32>,
        %parallel_loop3A_79 = arith.sitofp %parallel_loop3A_78 : vector<16xi32> to vector<16xf32>
        %parallel_loop3A_80 = arith.constant 34816 : i32
        %parallel_loop3A_81 = arith.addi %parallel_loop3A_80, %parallel_loop3A_23 : i32
        %parallel_loop3A_82 = arith.index_cast %parallel_loop3A_81 : i32 to index
        %parallel_loop3A_83 = tpu.vector_load %arg6[%parallel_loop3A_82] {strides = array<i32>} : memref<49152xf32, #tpu.memory_space<vmem>>, vector<16xf32>,
        tpu.vector_store %arg6[%parallel_loop3A_82], %parallel_loop3A_79 {strides = array<i32>} : memref<49152xf32, #tpu.memory_space<vmem>>, vector<16xf32>,
        %parallel_loop3A_84 = arith.constant 10 : i32
        %parallel_loop3A_85 = arith.addi %parallel_loop3A_21, %parallel_loop3A_84 : i32
        %parallel_loop3A_86 = vector.broadcast %parallel_loop3A_85 : i32 to vector<16xi32>
        %parallel_loop3A_87 = arith.addi %parallel_loop3A_86, %mul3A_5 : vector<16xi32>
        %parallel_loop3A_88 = tpu.vector_load_idx %arg5[%parallel_loop3A_87] : memref<22528xi32, #tpu.memory_space<vmem>>[vector<16xi32>], vector<16xi32>,
        %parallel_loop3A_89 = arith.sitofp %parallel_loop3A_88 : vector<16xi32> to vector<16xf32>
        %parallel_loop3A_90 = arith.constant 36864 : i32
        %parallel_loop3A_91 = arith.addi %parallel_loop3A_90, %parallel_loop3A_23 : i32
        %parallel_loop3A_92 = arith.index_cast %parallel_loop3A_91 : i32 to index
        %parallel_loop3A_93 = tpu.vector_load %arg6[%parallel_loop3A_92] {strides = array<i32>} : memref<49152xf32, #tpu.memory_space<vmem>>, vector<16xf32>,
        tpu.vector_store %arg6[%parallel_loop3A_92], %parallel_loop3A_89 {strides = array<i32>} : memref<49152xf32, #tpu.memory_space<vmem>>, vector<16xf32>,
        %parallel_loop3A_94 = arith.constant 0 : i32
        %parallel_loop3A_95 = arith.addi %parallel_loop3A_21, %parallel_loop3A_94 : i32
        %parallel_loop3A_96 = vector.broadcast %parallel_loop3A_95 : i32 to vector<16xi32>
        %parallel_loop3A_97 = arith.addi %parallel_loop3A_96, %mul3A_5 : vector<16xi32>
        %parallel_loop3A_98 = tpu.vector_load_idx %arg5[%parallel_loop3A_97] : memref<22528xi32, #tpu.memory_space<vmem>>[vector<16xi32>], vector<16xi32>,
        %parallel_loop3A_99 = arith.constant 0 : i32
        %parallel_loop3A_100 = vector.broadcast %parallel_loop3A_99 : i32 to vector<16xi32>
        %parallel_loop3A_101 = arith.addi %parallel_loop3A_98, %parallel_loop3A_100 : vector<16xi32>
        %parallel_loop3A_102 = tpu.vector_load_idx %arg7[%parallel_loop3A_101] : memref<96xf32, #tpu.memory_space<vmem>>[vector<16xi32>], vector<16xf32>,
        %parallel_loop3A_103 = arith.constant 0 : i32
        %parallel_loop3A_104 = arith.addi %parallel_loop3A_103, %parallel_loop3A_23 : i32
        %parallel_loop3A_105 = arith.index_cast %parallel_loop3A_104 : i32 to index
        %parallel_loop3A_106 = tpu.vector_load %arg6[%parallel_loop3A_105] {strides = array<i32>} : memref<49152xf32, #tpu.memory_space<vmem>>, vector<16xf32>,
        tpu.vector_store %arg6[%parallel_loop3A_105], %parallel_loop3A_102 {strides = array<i32>} : memref<49152xf32, #tpu.memory_space<vmem>>, vector<16xf32>,
        %parallel_loop3A_107 = arith.constant 8 : i32
        %parallel_loop3A_108 = vector.broadcast %parallel_loop3A_107 : i32 to vector<16xi32>
        %parallel_loop3A_109 = arith.addi %parallel_loop3A_98, %parallel_loop3A_108 : vector<16xi32>
        %parallel_loop3A_110 = tpu.vector_load_idx %arg7[%parallel_loop3A_109] : memref<96xf32, #tpu.memory_space<vmem>>[vector<16xi32>], vector<16xf32>,
        %parallel_loop3A_111 = arith.constant 2048 : i32
        %parallel_loop3A_112 = arith.addi %parallel_loop3A_111, %parallel_loop3A_23 : i32
        %parallel_loop3A_113 = arith.index_cast %parallel_loop3A_112 : i32 to index
        %parallel_loop3A_114 = tpu.vector_load %arg6[%parallel_loop3A_113] {strides = array<i32>} : memref<49152xf32, #tpu.memory_space<vmem>>, vector<16xf32>,
        tpu.vector_store %arg6[%parallel_loop3A_113], %parallel_loop3A_110 {strides = array<i32>} : memref<49152xf32, #tpu.memory_space<vmem>>, vector<16xf32>,
        %parallel_loop3A_115 = arith.constant 16 : i32
        %parallel_loop3A_116 = vector.broadcast %parallel_loop3A_115 : i32 to vector<16xi32>
        %parallel_loop3A_117 = arith.addi %parallel_loop3A_98, %parallel_loop3A_116 : vector<16xi32>
        %parallel_loop3A_118 = tpu.vector_load_idx %arg7[%parallel_loop3A_117] : memref<96xf32, #tpu.memory_space<vmem>>[vector<16xi32>], vector<16xf32>,
        %parallel_loop3A_119 = arith.constant 4096 : i32
        %parallel_loop3A_120 = arith.addi %parallel_loop3A_119, %parallel_loop3A_23 : i32
        %parallel_loop3A_121 = arith.index_cast %parallel_loop3A_120 : i32 to index
        %parallel_loop3A_122 = tpu.vector_load %arg6[%parallel_loop3A_121] {strides = array<i32>} : memref<49152xf32, #tpu.memory_space<vmem>>, vector<16xf32>,
        tpu.vector_store %arg6[%parallel_loop3A_121], %parallel_loop3A_118 {strides = array<i32>} : memref<49152xf32, #tpu.memory_space<vmem>>, vector<16xf32>,
        %parallel_loop3A_123 = arith.constant 1 : i32
        %parallel_loop3A_124 = arith.addi %parallel_loop3A_21, %parallel_loop3A_123 : i32
        %parallel_loop3A_125 = vector.broadcast %parallel_loop3A_124 : i32 to vector<16xi32>
        %parallel_loop3A_126 = arith.addi %parallel_loop3A_125, %mul3A_5 : vector<16xi32>
        %parallel_loop3A_127 = tpu.vector_load_idx %arg5[%parallel_loop3A_126] : memref<22528xi32, #tpu.memory_space<vmem>>[vector<16xi32>], vector<16xi32>,
        %parallel_loop3A_128 = arith.constant 24 : i32
        %parallel_loop3A_129 = vector.broadcast %parallel_loop3A_128 : i32 to vector<16xi32>
        %parallel_loop3A_130 = arith.addi %parallel_loop3A_127, %parallel_loop3A_129 : vector<16xi32>
        %parallel_loop3A_131 = tpu.vector_load_idx %arg7[%parallel_loop3A_130] : memref<96xf32, #tpu.memory_space<vmem>>[vector<16xi32>], vector<16xf32>,
        %parallel_loop3A_132 = arith.constant 6144 : i32
        %parallel_loop3A_133 = arith.addi %parallel_loop3A_132, %parallel_loop3A_23 : i32
        %parallel_loop3A_134 = arith.index_cast %parallel_loop3A_133 : i32 to index
        %parallel_loop3A_135 = tpu.vector_load %arg6[%parallel_loop3A_134] {strides = array<i32>} : memref<49152xf32, #tpu.memory_space<vmem>>, vector<16xf32>,
        tpu.vector_store %arg6[%parallel_loop3A_134], %parallel_loop3A_131 {strides = array<i32>} : memref<49152xf32, #tpu.memory_space<vmem>>, vector<16xf32>,
        %parallel_loop3A_136 = arith.constant 32 : i32
        %parallel_loop3A_137 = vector.broadcast %parallel_loop3A_136 : i32 to vector<16xi32>
        %parallel_loop3A_138 = arith.addi %parallel_loop3A_127, %parallel_loop3A_137 : vector<16xi32>
        %parallel_loop3A_139 = tpu.vector_load_idx %arg7[%parallel_loop3A_138] : memref<96xf32, #tpu.memory_space<vmem>>[vector<16xi32>], vector<16xf32>,
        %parallel_loop3A_140 = arith.constant 8192 : i32
        %parallel_loop3A_141 = arith.addi %parallel_loop3A_140, %parallel_loop3A_23 : i32
        %parallel_loop3A_142 = arith.index_cast %parallel_loop3A_141 : i32 to index
        %parallel_loop3A_143 = tpu.vector_load %arg6[%parallel_loop3A_142] {strides = array<i32>} : memref<49152xf32, #tpu.memory_space<vmem>>, vector<16xf32>,
        tpu.vector_store %arg6[%parallel_loop3A_142], %parallel_loop3A_139 {strides = array<i32>} : memref<49152xf32, #tpu.memory_space<vmem>>, vector<16xf32>,
        %parallel_loop3A_144 = arith.constant 40 : i32
        %parallel_loop3A_145 = vector.broadcast %parallel_loop3A_144 : i32 to vector<16xi32>
        %parallel_loop3A_146 = arith.addi %parallel_loop3A_127, %parallel_loop3A_145 : vector<16xi32>
        %parallel_loop3A_147 = tpu.vector_load_idx %arg7[%parallel_loop3A_146] : memref<96xf32, #tpu.memory_space<vmem>>[vector<16xi32>], vector<16xf32>,
        %parallel_loop3A_148 = arith.constant 10240 : i32
        %parallel_loop3A_149 = arith.addi %parallel_loop3A_148, %parallel_loop3A_23 : i32
        %parallel_loop3A_150 = arith.index_cast %parallel_loop3A_149 : i32 to index
        %parallel_loop3A_151 = tpu.vector_load %arg6[%parallel_loop3A_150] {strides = array<i32>} : memref<49152xf32, #tpu.memory_space<vmem>>, vector<16xf32>,
        tpu.vector_store %arg6[%parallel_loop3A_150], %parallel_loop3A_147 {strides = array<i32>} : memref<49152xf32, #tpu.memory_space<vmem>>, vector<16xf32>,
        %parallel_loop3A_152 = arith.constant 6 : i32
        %parallel_loop3A_153 = arith.addi %parallel_loop3A_21, %parallel_loop3A_152 : i32
        %parallel_loop3A_154 = vector.broadcast %parallel_loop3A_153 : i32 to vector<16xi32>
        %parallel_loop3A_155 = arith.addi %parallel_loop3A_154, %mul3A_5 : vector<16xi32>
        %parallel_loop3A_156 = tpu.vector_load_idx %arg5[%parallel_loop3A_155] : memref<22528xi32, #tpu.memory_space<vmem>>[vector<16xi32>], vector<16xi32>,
        %parallel_loop3A_157 = arith.constant 48 : i32
        %parallel_loop3A_158 = vector.broadcast %parallel_loop3A_157 : i32 to vector<16xi32>
        %parallel_loop3A_159 = arith.addi %parallel_loop3A_156, %parallel_loop3A_158 : vector<16xi32>
        %parallel_loop3A_160 = tpu.vector_load_idx %arg7[%parallel_loop3A_159] : memref<96xf32, #tpu.memory_space<vmem>>[vector<16xi32>], vector<16xf32>,
        %parallel_loop3A_161 = arith.constant 20480 : i32
        %parallel_loop3A_162 = arith.addi %parallel_loop3A_161, %parallel_loop3A_23 : i32
        %parallel_loop3A_163 = arith.index_cast %parallel_loop3A_162 : i32 to index
        %parallel_loop3A_164 = tpu.vector_load %arg6[%parallel_loop3A_163] {strides = array<i32>} : memref<49152xf32, #tpu.memory_space<vmem>>, vector<16xf32>,
        tpu.vector_store %arg6[%parallel_loop3A_163], %parallel_loop3A_160 {strides = array<i32>} : memref<49152xf32, #tpu.memory_space<vmem>>, vector<16xf32>,
        %parallel_loop3A_165 = arith.constant 56 : i32
        %parallel_loop3A_166 = vector.broadcast %parallel_loop3A_165 : i32 to vector<16xi32>
        %parallel_loop3A_167 = arith.addi %parallel_loop3A_156, %parallel_loop3A_166 : vector<16xi32>
        %parallel_loop3A_168 = tpu.vector_load_idx %arg7[%parallel_loop3A_167] : memref<96xf32, #tpu.memory_space<vmem>>[vector<16xi32>], vector<16xf32>,
        %parallel_loop3A_169 = arith.constant 22528 : i32
        %parallel_loop3A_170 = arith.addi %parallel_loop3A_169, %parallel_loop3A_23 : i32
        %parallel_loop3A_171 = arith.index_cast %parallel_loop3A_170 : i32 to index
        %parallel_loop3A_172 = tpu.vector_load %arg6[%parallel_loop3A_171] {strides = array<i32>} : memref<49152xf32, #tpu.memory_space<vmem>>, vector<16xf32>,
        tpu.vector_store %arg6[%parallel_loop3A_171], %parallel_loop3A_168 {strides = array<i32>} : memref<49152xf32, #tpu.memory_space<vmem>>, vector<16xf32>,
        %parallel_loop3A_173 = arith.constant 64 : i32
        %parallel_loop3A_174 = vector.broadcast %parallel_loop3A_173 : i32 to vector<16xi32>
        %parallel_loop3A_175 = arith.addi %parallel_loop3A_156, %parallel_loop3A_174 : vector<16xi32>
        %parallel_loop3A_176 = tpu.vector_load_idx %arg7[%parallel_loop3A_175] : memref<96xf32, #tpu.memory_space<vmem>>[vector<16xi32>], vector<16xf32>,
        %parallel_loop3A_177 = arith.constant 24576 : i32
        %parallel_loop3A_178 = arith.addi %parallel_loop3A_177, %parallel_loop3A_23 : i32
        %parallel_loop3A_179 = arith.index_cast %parallel_loop3A_178 : i32 to index
        %parallel_loop3A_180 = tpu.vector_load %arg6[%parallel_loop3A_179] {strides = array<i32>} : memref<49152xf32, #tpu.memory_space<vmem>>, vector<16xf32>,
        tpu.vector_store %arg6[%parallel_loop3A_179], %parallel_loop3A_176 {strides = array<i32>} : memref<49152xf32, #tpu.memory_space<vmem>>, vector<16xf32>,
        %parallel_loop3A_181 = arith.constant 7 : i32
        %parallel_loop3A_182 = arith.addi %parallel_loop3A_21, %parallel_loop3A_181 : i32
        %parallel_loop3A_183 = vector.broadcast %parallel_loop3A_182 : i32 to vector<16xi32>
        %parallel_loop3A_184 = arith.addi %parallel_loop3A_183, %mul3A_5 : vector<16xi32>
        %parallel_loop3A_185 = tpu.vector_load_idx %arg5[%parallel_loop3A_184] : memref<22528xi32, #tpu.memory_space<vmem>>[vector<16xi32>], vector<16xi32>,
        %parallel_loop3A_186 = arith.constant 72 : i32
        %parallel_loop3A_187 = vector.broadcast %parallel_loop3A_186 : i32 to vector<16xi32>
        %parallel_loop3A_188 = arith.addi %parallel_loop3A_185, %parallel_loop3A_187 : vector<16xi32>
        %parallel_loop3A_189 = tpu.vector_load_idx %arg7[%parallel_loop3A_188] : memref<96xf32, #tpu.memory_space<vmem>>[vector<16xi32>], vector<16xf32>,
        %parallel_loop3A_190 = arith.constant 26624 : i32
        %parallel_loop3A_191 = arith.addi %parallel_loop3A_190, %parallel_loop3A_23 : i32
        %parallel_loop3A_192 = arith.index_cast %parallel_loop3A_191 : i32 to index
        %parallel_loop3A_193 = tpu.vector_load %arg6[%parallel_loop3A_192] {strides = array<i32>} : memref<49152xf32, #tpu.memory_space<vmem>>, vector<16xf32>,
        tpu.vector_store %arg6[%parallel_loop3A_192], %parallel_loop3A_189 {strides = array<i32>} : memref<49152xf32, #tpu.memory_space<vmem>>, vector<16xf32>,
        %parallel_loop3A_194 = arith.constant 80 : i32
        %parallel_loop3A_195 = vector.broadcast %parallel_loop3A_194 : i32 to vector<16xi32>
        %parallel_loop3A_196 = arith.addi %parallel_loop3A_185, %parallel_loop3A_195 : vector<16xi32>
        %parallel_loop3A_197 = tpu.vector_load_idx %arg7[%parallel_loop3A_196] : memref<96xf32, #tpu.memory_space<vmem>>[vector<16xi32>], vector<16xf32>,
        %parallel_loop3A_198 = arith.constant 28672 : i32
        %parallel_loop3A_199 = arith.addi %parallel_loop3A_198, %parallel_loop3A_23 : i32
        %parallel_loop3A_200 = arith.index_cast %parallel_loop3A_199 : i32 to index
        %parallel_loop3A_201 = tpu.vector_load %arg6[%parallel_loop3A_200] {strides = array<i32>} : memref<49152xf32, #tpu.memory_space<vmem>>, vector<16xf32>,
        tpu.vector_store %arg6[%parallel_loop3A_200], %parallel_loop3A_197 {strides = array<i32>} : memref<49152xf32, #tpu.memory_space<vmem>>, vector<16xf32>,
        %parallel_loop3A_202 = arith.constant 88 : i32
        %parallel_loop3A_203 = vector.broadcast %parallel_loop3A_202 : i32 to vector<16xi32>
        %parallel_loop3A_204 = arith.addi %parallel_loop3A_185, %parallel_loop3A_203 : vector<16xi32>
        %parallel_loop3A_205 = tpu.vector_load_idx %arg7[%parallel_loop3A_204] : memref<96xf32, #tpu.memory_space<vmem>>[vector<16xi32>], vector<16xf32>,
        %parallel_loop3A_206 = arith.constant 30720 : i32
        %parallel_loop3A_207 = arith.addi %parallel_loop3A_206, %parallel_loop3A_23 : i32
        %parallel_loop3A_208 = arith.index_cast %parallel_loop3A_207 : i32 to index
        %parallel_loop3A_209 = tpu.vector_load %arg6[%parallel_loop3A_208] {strides = array<i32>} : memref<49152xf32, #tpu.memory_space<vmem>>, vector<16xf32>,
        tpu.vector_store %arg6[%parallel_loop3A_208], %parallel_loop3A_205 {strides = array<i32>} : memref<49152xf32, #tpu.memory_space<vmem>>, vector<16xf32>,
      } {sc.loop_unroll_factor = 8 : i64, sc.parallel_access}
      %mul3A_17 = arith.constant 49152 : i32
      %mul3A_18 = arith.muli %add3A_12, %mul3A_17 : i32
      "tpu.region"() ({
        %run_scoped3A = tpu.sem_alloc : memref<!tpu.dma_semaphore, #tpu.memory_space<semaphore_mem>>
        %dma_start3A = tpu.memref_slice %arg4[%mul3A_18] : memref<78643200xf32, #tpu.memory_space<hbm>> -> memref<49152xf32, #tpu.memory_space<hbm>>
        %dma_start3A_19 = tpu.memref_slice %arg4[%mul3A_18] : memref<78643200xf32, #tpu.memory_space<hbm>> -> memref<49152xf32, #tpu.memory_space<hbm>>
        tpu.enqueue_dma source(%arg6 : memref<49152xf32, #tpu.memory_space<vmem>>) target(%dma_start3A_19 : memref<49152xf32, #tpu.memory_space<hbm>>) target_semaphore(%run_scoped3A : memref<!tpu.dma_semaphore, #tpu.memory_space<semaphore_mem>>)
        %dma_wait3A = tpu.memref_slice %arg4[%mul3A_18] : memref<78643200xf32, #tpu.memory_space<hbm>> -> memref<49152xf32, #tpu.memory_space<hbm>>
        %dma_wait3A_20 = tpu.memref_slice %arg4[%mul3A_18] : memref<78643200xf32, #tpu.memory_space<hbm>> -> memref<49152xf32, #tpu.memory_space<hbm>>
        tpu.wait_dma2 semaphore(%run_scoped3A : memref<!tpu.dma_semaphore, #tpu.memory_space<semaphore_mem>>) src(%arg6 : memref<49152xf32, #tpu.memory_space<vmem>>) dst(%dma_wait3A_20 : memref<49152xf32, #tpu.memory_space<hbm>>)
        tpu.yield
      }) : () -> ()
    }
    %scan3A_10 = arith.constant 50 : i32
    return
  }
}

module attributes {stable_mosaic.version = 14 : i64} {
  func.func @_relayout_body(%arg0: i32, %arg1: memref<384x128xf32, #tpu.memory_space<vmem>>, %arg2: memref<2048x19xf32, #tpu.memory_space<vmem>>) attributes {dimension_semantics = [#tpu.dimension_semantics<arbitrary>], iteration_bounds = array<i64: 1600>, scalar_prefetch = 0 : i64, scratch_operands = 0 : i64, tpu.core_type = #tpu.core_type<tc>, window_params = [{transform_indices = @transform_0, window_bounds = array<i64: 384, 128>}, {transform_indices = @transform_1, window_bounds = array<i64: 2048, 19>}]} {
    %get3A = arith.constant 0 : index
    %get3A_0 = arith.constant 0 : index
    %get3A_1 = vector.load %arg1[%get3A, %get3A_0] : memref<384x128xf32, #tpu.memory_space<vmem>>, vector<384x128xf32>
    %reshape3A = vector.shape_cast %get3A_1 : vector<384x128xf32> to vector<24x16x128xf32>
    %slice3A = vector.extract_strided_slice %reshape3A {offsets = [0, 0, 0], sizes = [19, 16, 128], strides = [1, 1, 1]} : vector<24x16x128xf32> to vector<19x16x128xf32>
    %transpose3A = tpu.transpose %slice3A, [1, 2, 0] : vector<19x16x128xf32> -> vector<16x128x19xf32>
    %reshape3A_2 = vector.shape_cast %transpose3A : vector<16x128x19xf32> to vector<2048x19xf32>
    %swap3A = arith.constant 0 : index
    %swap3A_3 = arith.constant 0 : index
    %swap3A_4 = vector.load %arg2[%swap3A, %swap3A_3] : memref<2048x19xf32, #tpu.memory_space<vmem>>, vector<2048x19xf32>
    tpu.vector_store %arg2[%swap3A, %swap3A_3], %reshape3A_2 {strides = array<i32>} : memref<2048x19xf32, #tpu.memory_space<vmem>>, vector<2048x19xf32>,
    return
  }
  func.func @transform_0(%arg0: i32) -> (i32, i32) {
    %c0_i32 = arith.constant 0 : i32
    %c0_i32_0 = arith.constant 0 : i32
    return %arg0, %c0_i32 : i32, i32
  }
  func.func @transform_1(%arg0: i32) -> (i32, i32) {
    %c0_i32 = arith.constant 0 : i32
    %c0_i32_0 = arith.constant 0 : i32
    return %arg0, %c0_i32 : i32, i32
  }
}

</mosaic_0001>

<sc_bundles>
// kernel: kernel.4.cloned.1.call-start
scs
__scs_entry_jumppad:
0x0: {  	(pc) =	sbr.rel $0x88, $3  }
0x1: {  	(tag) =	ssettag $0x0;
	lr =	simm.s32 $0x1  }
0x2: {  	[smem:$0x3F9C] =	sst lr;
	_ =	strace $0xD0000000  }
0x3: {  	_ = 	snop  }
0x4: {  	_ = 	snop  }
0x5: {  	_ = 	snop  }
0x6: {  	_ = 	snop  }
0x7: {  	_ = 	snop  }
__scs_overlays_trampoline_lowered:
0x8: {  	[smem:$0x3FAB] =	sst s0  }
0x9: {  	[smem:$0x3FAC] =	sst s1  }
0xa: {  	[smem:$0x3FAD] =	sst s2  }
0xb: {  	[smem:$0x3FAE] =	sst s3  }
0xc: {  	[smem:$0x3FAF] =	sst s4  }
0xd: {  	[smem:$0x3FB0] =	sst s5  }
0xe: {  	[smem:$0x3FB1] =	sst s6  }
0xf: {  	[smem:$0x3FB2] =	sst s7  }
0x10: {  	[smem:$0x3FB3] =	sst s8  }
0x11: {  	[smem:$0x3FB4] =	sst s9;
	s0 =	simm.s32 @!p0 $0x0  }
0x12: {  	s1 =	sld [smem:$0x3F9A];
	s0 =	simm.s32 @p0 $0x1  }
0x13: {  	[smem:$0x3FB5] =	sst s0;
	s0 =	simm.s32 @!p1 $0x0  }
0x14: {  	s2 =	sld [smem:$0x3F99];
	s0 =	simm.s32 @p1 $0x1  }
0x15: {  	[smem:$0x3FB6] =	sst s0;
	s0 =	simm.s32 @!p2 $0x0  }
0x16: {  	s3 =	sld [smem:$0x3FDB];
	s0 =	simm.s32 @p2 $0x1  }
0x17: {  	s4 =	simm.s32 $0x1BF5;
	[smem:$0x3FB8] =	sst s0  }
0x18: {  	s0 =	sld [smem:$0x3F9B];
	_ =	swait.ge [sflag:s4], $0x0  }
0x19: {  	s7 =	sld [smem:$0x3F9C]  }
0x1a: {  	s8 =	sadd.s32 $0xFFFFE003, lr  }
0x1b: {  	s9 =	sadd.s32 $0xFFFFFEF7, lr;
	s5 =	simm.s32 $0xFFFFFFFF;
	p2 =	slt.u32 s8, $0xFFFFF086  }
0x1c: {  	p1 =	slt.u32 s9, $0xF7A;
	s5 =	simm.s32 @!p2 $0x0  }
0x1d: {  	s5 =	simm.s32 @p1 $0x1;
	p0 =	seq.s32 s7, s2  }
0x1e: {  	s7 =	smul.u32 @!p0 $0xF7A, s2;
	p2 =	seq.s32 @!p0 s5, $0x0  }
0x1f: {  	s9 =	smul.u32 $0xF7A, s1;
	s8 =	simm.s32 @!p0 $0x1BF5;
	p2 =	por !p2, p0  }
0x20: {  	[sflag:s8] =	ssyncset.s32 @!p0 $0xFFFFF086;
	s6 =	sadd.s32 @!p0 s3, s7;
	s7 =	simm.s32 @!p0 $0x108  }
0x21: {  	s3 =	sadd.s32 s3, s9;
	s6 =	sadd.s32 @!p0 $0x88, s6;
	s7 =	simm.s32 @p2 $0x1082  }
0x22: {  	[simem:s7], [sflag:s8] =	dma.local @!p0 [hbm:s6], $0xF7A  }
0x23: {  	s9 =	sor.u32 $0xD0000000, s2;
	s6 =	simm.s32 $0x108;
	_ =	swait.ge @!p0 [sflag:s8], $0x0  }
0x24: {  	s3 =	sadd.s32 $0x88, s3;
	s6 =	simm.s32 @!p1 $0x1082;
	[sflag:s4] =	ssyncset.s32 $0xFFFFF086  }
0x25: {  	[simem:s6], [sflag:s4] =	dma.local [hbm:s3], $0xF7A  }
0x26: {  	[smem:$0x3F9C] =	sst s1;
	(tag) =	ssettag s2;
	_ =	strace s9  }
0x27: {  	s1 =	sld [smem:$0x3FAC]  }
0x28: {  	s2 =	sld [smem:$0x3FAD]  }
0x29: {  	s4 =	sld [smem:$0x3FAF]  }
0x2a: {  	p0 =	seq.s32 s5, $0x0;
	s5 =	sld [smem:$0x3FB0]  }
0x2b: {  	s6 =	sld [smem:$0x3FB1]  }
0x2c: {  	s7 =	sld [smem:$0x3FB2]  }
0x2d: {  	s3 =	simm.s32 $0x108;
	s8 =	sld [smem:$0x3FB3]  }
0x2e: {  	s3 =	simm.s32 @!p0 $0x1082;
	s9 =	sld [smem:$0x3FB4]  }
0x2f: {  	lr =	sadd.s32 s0, s3;
	s0 =	sld [smem:$0x3FAB]  }
0x30: {  	s3 =	sld [smem:$0x3FAE]  }
0x31: {  	[smem:$0x3FB7] =	sst s10  }
0x32: {  	s10 =	sld [smem:$0x3FB5];
	_ =	sdelay $0x3  }
0x33: {  	p0 =	seq.s32 s10, $0x1;
	s10 =	sld [smem:$0x3FB7];
	_ =	sdelay $0x3  }
0x34: {  	[smem:$0x3FB7] =	sst s10  }
0x35: {  	s10 =	sld [smem:$0x3FB6];
	_ =	sdelay $0x3  }
0x36: {  	p1 =	seq.s32 s10, $0x1;
	s10 =	sld [smem:$0x3FB7];
	_ =	sdelay $0x3  }
0x37: {  	[smem:$0x3FB7] =	sst s10  }
0x38: {  	s10 =	sld [smem:$0x3FB8]  }
0x39: {  	_ = 	snop;
	(pc) =	sbr.ind lr, $3  }
0x3a: {  	_ = 	snop  }
0x3b: {  	_ = 	snop  }
0x3c: {  	p2 =	seq.s32 s10, $0x1;
	s10 =	sld [smem:$0x3FB7]  }
0x3d: {  	_ =	shalt  }
0x3e: {  	_ =	shalt  }
0x3f: {  	_ =	shalt  }
0x40: {  	_ =	shalt  }
0x41: {  	_ =	shalt  }
0x42: {  	_ =	shalt  }
0x43: {  	_ =	shalt  }
0x44: {  	_ =	shalt  }
0x45: {  	_ =	shalt  }
0x46: {  	_ =	shalt  }
0x47: {  	_ =	shalt  }
0x48: {  	_ =	shalt  }
0x49: {  	_ =	shalt  }
0x4a: {  	_ =	shalt  }
0x4b: {  	_ =	shalt  }
0x4c: {  	_ =	shalt  }
0x4d: {  	_ =	shalt  }
0x4e: {  	_ =	shalt  }
0x4f: {  	_ =	shalt  }
0x50: {  	_ =	shalt  }
0x51: {  	_ =	shalt  }
0x52: {  	_ =	shalt  }
0x53: {  	_ =	shalt  }
0x54: {  	_ =	shalt  }
0x55: {  	_ =	shalt  }
0x56: {  	_ =	shalt  }
0x57: {  	_ =	shalt  }
0x58: {  	_ =	shalt  }
0x59: {  	_ =	shalt  }
0x5a: {  	_ =	shalt  }
0x5b: {  	_ =	shalt  }
0x5c: {  	_ =	shalt  }
0x5d: {  	_ =	shalt  }
0x5e: {  	_ =	shalt  }
0x5f: {  	_ =	shalt  }
0x60: {  	_ =	shalt  }
0x61: {  	_ =	shalt  }
0x62: {  	_ =	shalt  }
0x63: {  	_ =	shalt  }
0x64: {  	_ =	shalt  }
0x65: {  	_ =	shalt  }
0x66: {  	_ =	shalt  }
0x67: {  	_ =	shalt  }
0x68: {  	_ =	shalt  }
0x69: {  	_ =	shalt  }
0x6a: {  	_ =	shalt  }
0x6b: {  	_ =	shalt  }
0x6c: {  	_ =	shalt  }
0x6d: {  	_ =	shalt  }
0x6e: {  	_ =	shalt  }
0x6f: {  	_ =	shalt  }
0x70: {  	_ =	shalt  }
0x71: {  	_ =	shalt  }
0x72: {  	_ =	shalt  }
0x73: {  	_ =	shalt  }
0x74: {  	_ =	shalt  }
0x75: {  	_ =	shalt  }
0x76: {  	_ =	shalt  }
0x77: {  	_ =	shalt  }
0x78: {  	_ =	shalt  }
0x79: {  	_ =	shalt  }
0x7a: {  	_ =	shalt  }
0x7b: {  	_ =	shalt  }
0x7c: {  	_ =	shalt  }
0x7d: {  	_ =	shalt  }
0x7e: {  	_ =	shalt  }
0x7f: {  	_ =	shalt  }
0x80: {  	_ =	shalt  }
0x81: {  	_ =	shalt  }
0x82: {  	_ =	shalt  }
0x83: {  	_ =	shalt  }
0x84: {  	_ =	shalt  }
0x85: {  	_ =	shalt  }
0x86: {  	_ =	shalt  }
0x87: {  	_ =	shalt  }
.Lfunc_end0:
.L_simem_size_0:
called_computation.1_lowered:
.L_overlay_start_0:
0x88: {  	s2 =	sld [smem:$0x3FD9]  }
0x89: {  	s3 =	sld [smem:$0x3FFE];
	_ =	sdelay $0x1  }
0x8a: {  	s1 =	srdreg.scid  }
0x8b: {  	s0 =	sand.u32 $0x1, s1  }
0x8c: {  	s17 =	sshll.u32 s0, $0xA;
	s2 =	sadd.s32 s3, s2  }
0x8d: {  	s2 =	sadd.s32 s2, s17  }
0x8e: {  	[smem:$0x3FC3] =	sst s2  }
0x8f: {  	_ = 	snop  }
0x90: {  	s2 =	sld [smem:$0x3FD0];
	(tm) =	ssettm $0x1  }
0x91: {  	s18 =	sld [smem:$0x3FFB];
	_ =	sdelay $0x3  }
0x92: {  	_ =	strace s18  }
0x93: {  	s3 =	sld [smem:$0x3FFC];
	_ =	sdelay $0x3  }
0x94: {  	_ =	strace s3  }
0x95: {  	s3 =	sld [smem:$0x3FFD];
	_ =	sdelay $0x3  }
0x96: {  	_ =	strace s3  }
0x97: {  	_ =	strace $0x8FFFFFFF  }
0x98: {  	s19 =	sld [smem:$0x3FDB];
	_ =	sdelay $0x1  }
0x99: {  	s4 =	simm.s32 $_scs_section_size  }
0x9a: {  	s5 =	simm.s32 $_size__tile_overlayer_lowered;
	s6 =	simm.s32 $_tile_overlayer_lowered  }
0x9b: {  	s22 =	simm.s32 $0x1BFF;
	s21 =	sshll.u32 s6, $0x1;
	s3 =	sadd.s32 s4, s19  }
0x9c: {  	s7 =	simm.s32 $0x0;
	s20 =	sshll.u32 s5, $0x1;
	s5 =	sadd.s32 s21, s3  }
0x9d: {  	[timem:s7], [sflag:s22] =	dma.local [hbm:s5], s20  }
0x9e: {  	_ =	swait.ge [sflag:s22], s20  }
0x9f: {  	s4 =	ssub.s32 $0x0, s20;
	[sflag:s22] =	ssyncset.done $0x0  }
0xa0: {  	[sflag:s22] =	ssyncadd.s32 s4;
	_ =	sdelay $0x1  }
0xa1: {  	s23 =	simm.s32 $0x1B8B  }
0xa2: {  	_ =	swait.ge [sflag:s23], $0x1  }
0xa3: {  	[sflag:s23] =	ssyncset.done $0x0  }
0xa4: {  	s25 =	simm.s32 $0x1B8E;
	s24 =	sld [smem:$0x3FFE];
	[sflag:s23] =	ssyncadd.s32 $0xFFFFFFFF  }
0xa5: {  	s26 =	simm.s32 $execute0_lowered;
	[smem:$0x3FD2] =	sst s25  }
0xa6: {  	s5 =	sshll.u32 s26, $0x1;
	_ =	strace $0x80000046;
	[dreg:$0x1] =	wrdreg $0xFFFFFFFF  }
0xa7: {  	s28 =	simm.s32 $_size_execute0_lowered;
	s3 =	sadd.s32 s3, s5;
	[dreg:$0x0] =	wrdreg $0x0  }
0xa8: {  	s5 =	sshll.u32 s28, $0x1;
	[dreg:$0x2] =	wrdreg s3  }
0xa9: {  	[dreg:$0x3] =	wrdreg s5  }
0xaa: {  	[dreg:$0x4] =	wrdreg $0xC0  }
0xab: {  	_ =	task [dreg:s7], $0x5FFFF  }
0xac: {  	[dreg:$0x1] =	wrdreg $0xFFFFFFFF  }
0xad: {  	[dreg:$0x0] =	wrdreg $0x60  }
0xae: {  	[dreg:$0x2] =	wrdreg s2  }
0xaf: {  	[dreg:$0x3] =	wrdreg s24  }
0xb0: {  	[dreg:$0x4] =	wrdreg $0x9  }
0xb1: {  	_ =	task.clear_ibuf [dreg:s7], $0x5FFFF;
	_ =	strace $0x90000046  }
0xb2: {  	s29 =	simm.s32 $0x9;
	_ =	strace $0x80000048  }
0xb3: {  	_ =	swait.ge [sflag:s29], $0x1  }
0xb4: {  	[sflag:s29] =	ssyncadd.s32 $0xFFFFFFFF  }
0xb5: {  	_ =	strace $0x90000048  }
0xb6: {  	_ =	sfence  }
0xb7: {  	s30 =	sld [smem:$0x0];
	_ =	sdelay $0x2  }
0xb8: {  	s31 =	sshll.u32 s1, $0xD;
	s1 =	sshrl.u32 s1, $0x2  }
0xb9: {  	s3 =	sand.u32 $0x4000, s31;
	s1 =	sadd.s32 s1, s30  }
0xba: {  	s0 =	sor.u32 s3, s0;
	s1 =	sshll.u32 s1, $0x11  }
0xbb: {  	s0 =	sor.u32 s1, s0  }
0xbc: {  	s0 =	sadd.s32 $0x8F2B, s0  }
0xbd: {  	[sflag:s0] =	ssyncadd.remote.s32 $0x1  }
0xbe: {  	_ =	sfence.sel $0xFFFF  }
0xbf: {  	[dreg:$0x0] =	wrdreg $0xFFFFFFFF;
	(pc) =	sbr.abs _section_cstart, $3  }
0xc0: {  	[dreg:$0x1] =	wrdreg $0xFFFFFFFF  }
0xc1: {  	_ =	task.clear_ibuf [dreg:s7], $0x2FFFF;
	_ =	strace $0x9FFFFFFF  }
0xc2: {  	(tm) =	ssettm $0x7FFFFFFF  }
0xc3: {  	_ =	shalt  }
tec
execute0_lowered:
.L_overlay_start_1:
0x0: {  	(tag) =	ssettag $0x1  }
0x1: {  	s0 =	rddreg [dreg:$0x1];
	s29 =	simm.s32 $0x0;
	s1 =	srdreg.scid  }
0x2: {  	s5 =	stileid.u32;
	[smem:$0x7FF] =	sst s29;
	s1 =	sand.u32 $0x1, s1  }
0x3: {  	v0 =	vimm.s32 $0x796E6358;
	v1 =	vimm.s32 $0x251A0F04;
	s4 =	sadd.s32 $0xA00, s0;
	s5 =	sshll.u32 s5, $0x1;
	s0 =	sadd.s32 $0xC00, s0  }
0x4: {  	v2 =	vimm.s32 $0x21160B00;
	v3 =	vimm.s32 $0x4D42372C;
	v0 =	vunpack.c.0.s8.s32 v0;
	_ =	strace $0x80000047;
	s3 =	ssub.s32 $0x2, s1;
	s1 =	sor.u32 s1, s5  }
0x5: {  	v1 =	vunpack.c.0.s8.s32 v1;
	v2 =	vunpack.c.0.s8.s32 v2;
	v3 =	vunpack.c.0.s8.s32 v3;
	[smem:$0x7FA] =	sst s4;
	s30 =	sshrl.u32 s3, $0x1;
	s1 =	smul.u32 $0x32, s1  }
0x6: {  	vm0 =	vcmask $0x1F10;
	[smem:$0x7FB] =	sst s0;
	s31 =	ssub.s32 s3, s30  }
0x7: {  	s8 =	simm.s32 $0x11800;
	v1 =	vsel vm0, v1, v0;
	v0 =	vlaneseq.u32;
	v2 =	vsel vm0, v3, v2;
	[smem:$0x7FC] =	sst s1;
	s0 =	smax.u32 s31, $0x1  }
0x8: {  	s3 =	simm.s32 $0x1;
	v0 =	vmul.u32 $0xB, v0;
	v1 =	vcombine.low v2, v1;
	s1 =	simm.s32 $0x0;
	[smem:$0x7FD] =	sst s0  }
.LBB2_1:
0x9: {  	s0 =	sld [smem:$0x7FA];
	_ =	sdelay $0x1  }
0xa: {  	[smem:$0x7F9] =	sst s1  }
0xb: {  	[tilespmem:s8], [sflag:$0x1] =	stream.linear.gather [hbm4b:s0+s29], $0x80, $0x38;
	[tilespmem:$0x11880] =	vst v63  }
0xc: {  	_ =	swait.ge [sflag:s3], $0x80  }
0xd: {  	[sflag:s3] =	ssyncset.done $0x0  }
0xe: {  	s1 =	simm.s32 $0x0;
	[sflag:s3] =	ssyncadd.s32 $0xFFFFFF80  }
.LBB2_2:
0xf: {  	s0 =	sld [smem:$0x7FC]  }
0x10: {  	s5 =	simm.s32 $0x0  }
0x11: {  	s22 =	smul.u32 $0xB0, s5;
	s7 =	sor.u32 $0x1, s5  }
0x12: {  	[smem:$0x7F7] =	sst s1;
	s23 =	smul.u32 $0xB0, s7;
	s0 =	sadd.s32 s0, s1  }
0x13: {  	[smem:$0x7F8] =	sst s0;
	s0 =	smul.u32 $0xB00, s0  }
0x14: {  	s15 =	rddreg [dreg:$0x0];
	s9 =	sor.u32 $0x5, s5;
	s16 =	sor.u32 $0x2, s22  }
0x15: {  	s6 =	smul.u32 $0xB0, s9;
	v2 =	vadd.s32 s16, v0;
	s17 =	sor.u32 $0x2, s23;
	s0 =	sadd.s32 s15, s0  }
0x16: {  	[tilespmem:s5], [sflag:$0x1] =	stream.linear.gather [hbm4b:s0+s5], $0x5800, $0x38;
	[tilespmem:$0x11880] =	vst v63  }
0x17: {  	s12 =	sor.u32 $0x7, s5;
	v3 =	vadd.s32 s17, v0;
	_ =	swait.ge [sflag:s3], $0x5800  }
0x18: {  	s4 =	smul.u32 $0xB0, s12;
	s18 =	sor.u32 $0x2, s6;
	[sflag:s3] =	ssyncset.done $0x0  }
0x19: {  	v4 =	vadd.s32 s18, v0;
	[sflag:s3] =	ssyncadd.s32 $0xFFFFA800  }
0x1a: {  	s14 =	sor.u32 $0x2, s5;
	s19 =	sor.u32 $0x2, s4;
	v2 =	vld.idx.msk [tilespmem:v2+s29+$0x0], $0xffff  }
0x1b: {  	s1 =	smul.u32 $0xB0, s14;
	v5 =	vadd.s32 s19, v0  }
0x1c: {  	s2 =	sor.u32 $0x3, s5;
	s20 =	sor.u32 $0x3, s22;
	v3 =	vld.idx.msk [tilespmem:v3+s29+$0x0], $0xffff  }
0x1d: {  	v6 =	vadd.s32 s20, v0;
	s10 =	sor.u32 $0x2, s1;
	s3 =	smul.u32 $0xB0, s2  }
0x1e: {  	s11 =	sor.u32 $0x4, s5;
	s15 =	sor.u32 $0x3, s23;
	v7 =	vadd.s32 s10, v0;
	v4 =	vld.idx.msk [tilespmem:v4+s29+$0x0], $0xffff  }
0x1f: {  	s24 =	simm.s32 $0x0;
	s0 =	smul.u32 $0xB0, s11;
	v8 =	vadd.s32 s15, v0;
	s21 =	sor.u32 $0x2, s3;
	v2 =	vcvt.s32.f32 v2  }
0x20: {  	s28 =	sand.u32 $0x3FFFFFF0, s24;
	s16 =	sor.u32 $0x3, s6;
	s5 =	sor.u32 $0x6, s5;
	v5 =	vld.idx.msk [tilespmem:v5+s29+$0x0], $0xffff;
	v9 =	vadd.s32 s21, v0  }
0x21: {  	s10 =	sshll.u32 s7, $0x4;
	s7 =	smul.u32 $0xB0, s5;
	s25 =	sor.u32 $0x2, s0;
	v3 =	vcvt.s32.f32 v3;
	[tilespmem:s28+$0x8800] =	vst v2;
	v2 =	vadd.s32 s16, v0  }
0x22: {  	s26 =	sor.u32 $0x3, s4;
	s18 =	sand.u32 $0x780, s10;
	v10 =	vadd.s32 s25, v0;
	v6 =	vld.idx.msk [tilespmem:v6+s29+$0x0], $0xffff  }
0x23: {  	s9 =	sshll.u32 s9, $0x4;
	s30 =	sor.u32 $0x2, s7;
	v4 =	vcvt.s32.f32 v4;
	[tilespmem:s18+$0x8810] =	vst v3;
	v3 =	vld.idx.msk [tilespmem:v7+s29+$0x0], $0xffff;
	v7 =	vadd.s32 s26, v0  }
0x24: {  	s31 =	sor.u32 $0x4, s22;
	s13 =	sand.u32 $0x780, s9;
	v11 =	vadd.s32 s30, v0;
	v8 =	vld.idx.msk [tilespmem:v8+s29+$0x0], $0xffff  }
0x25: {  	s12 =	sshll.u32 s12, $0x4;
	v12 =	vadd.s32 s31, v0;
	s17 =	sor.u32 $0x3, s1;
	v9 =	vld.idx.msk [tilespmem:v9+s29+$0x0], $0xffff;
	[tilespmem:s13+$0x8850] =	vst v4;
	v4 =	vcvt.s32.f32 v5  }
0x26: {  	s20 =	sor.u32 $0x4, s23;
	s19 =	sand.u32 $0x780, s12;
	v5 =	vadd.s32 s17, v0;
	v2 =	vld.idx.msk [tilespmem:v2+s29+$0x0], $0xffff  }
0x27: {  	v13 =	vadd.s32 s20, v0;
	s21 =	sor.u32 $0x3, s3;
	v10 =	vld.idx.msk [tilespmem:v10+s29+$0x0], $0xffff;
	[tilespmem:s19+$0x8870] =	vst v4;
	v6 =	vcvt.s32.f32 v6  }
0x28: {  	s14 =	sshll.u32 s14, $0x4;
	s24 =	sor.u32 $0x4, s6;
	v4 =	vadd.s32 s21, v0;
	v7 =	vld.idx.msk [tilespmem:v7+s29+$0x0], $0xffff;
	v3 =	vcvt.s32.f32 v3  }
0x29: {  	s25 =	sor.u32 $0x3, s0;
	v11 =	vld.idx.msk [tilespmem:v11+s29+$0x0], $0xffff;
	s21 =	sand.u32 $0x780, s14;
	v8 =	vcvt.s32.f32 v8;
	[tilespmem:s28+$0x9000] =	vst v6;
	v6 =	vadd.s32 s24, v0  }
0x2a: {  	v14 =	vadd.s32 s25, v0;
	s17 =	sshll.u32 s2, $0x4;
	s26 =	sor.u32 $0x4, s4;
	v9 =	vcvt.s32.f32 v9;
	[tilespmem:s21+$0x8820] =	vst v3;
	v12 =	vld.idx.msk [tilespmem:v12+s29+$0x0], $0xffff  }
0x2b: {  	s15 =	sand.u32 $0x780, s17;
	s24 =	sor.u32 $0x3, s7;
	[tilespmem:s18+$0x9010] =	vst v8;
	v3 =	vld.idx.msk [tilespmem:v5+s29+$0x0], $0xffff;
	v5 =	vadd.s32 s26, v0;
	v2 =	vcvt.s32.f32 v2  }
0x2c: {  	s30 =	sor.u32 $0x5, s22;
	s16 =	sshll.u32 s11, $0x4;
	v10 =	vcvt.s32.f32 v10;
	[tilespmem:s15+$0x8830] =	vst v9;
	v8 =	vld.idx.msk [tilespmem:v13+s29+$0x0], $0xffff;
	v13 =	vadd.s32 s24, v0  }
0x2d: {  	s31 =	sor.u32 $0x4, s1;
	v9 =	vadd.s32 s30, v0;
	s26 =	sand.u32 $0x780, s16;
	v4 =	vld.idx.msk [tilespmem:v4+s29+$0x0], $0xffff;
	[tilespmem:s13+$0x9050] =	vst v2;
	v2 =	vcvt.s32.f32 v7  }
0x2e: {  	s20 =	sor.u32 $0x5, s23;
	s11 =	sshll.u32 s5, $0x4;
	[tilespmem:s26+$0x8840] =	vst v10;
	v10 =	vadd.s32 s31, v0;
	v7 =	vcvt.s32.f32 v11;
	v6 =	vld.idx.msk [tilespmem:v6+s29+$0x0], $0xffff  }
0x2f: {  	s25 =	sand.u32 $0x780, s11;
	s30 =	sor.u32 $0x4, s3;
	v14 =	vld.idx.msk [tilespmem:v14+s29+$0x0], $0xffff;
	v11 =	vadd.s32 s20, v0;
	v12 =	vcvt.s32.f32 v12;
	[tilespmem:s19+$0x9070] =	vst v2  }
0x30: {  	s31 =	sor.u32 $0x5, s6;
	v3 =	vcvt.s32.f32 v3;
	v2 =	vadd.s32 s30, v0;
	[tilespmem:s25+$0x8860] =	vst v7;
	v5 =	vld.idx.msk [tilespmem:v5+s29+$0x0], $0xffff  }
0x31: {  	s2 =	sor.u32 $0x4, s0;
	v7 =	vadd.s32 s31, v0;
	v8 =	vcvt.s32.f32 v8;
	v13 =	vld.idx.msk [tilespmem:v13+s29+$0x0], $0xffff;
	[tilespmem:s28+$0x9800] =	vst v12  }
0x32: {  	s20 =	sor.u32 $0x5, s4;
	v4 =	vcvt.s32.f32 v4;
	[tilespmem:s21+$0x9020] =	vst v3;
	v12 =	vadd.s32 s2, v0;
	v9 =	vld.idx.msk [tilespmem:v9+s29+$0x0], $0xffff  }
0x33: {  	s24 =	sor.u32 $0x4, s7;
	v3 =	vadd.s32 s20, v0;
	[tilespmem:s18+$0x9810] =	vst v8;
	v8 =	vld.idx.msk [tilespmem:v10+s29+$0x0], $0xffff;
	v6 =	vcvt.s32.f32 v6  }
0x34: {  	s30 =	sor.u32 $0x8, s22;
	[tilespmem:s15+$0x9030] =	vst v4;
	v10 =	vld.idx.msk [tilespmem:v11+s29+$0x0], $0xffff;
	v11 =	vcvt.s32.f32 v14;
	v14 =	vadd.s32 s24, v0  }
0x35: {  	s31 =	sor.u32 $0x5, s1;
	v4 =	vadd.s32 s30, v0;
	v2 =	vld.idx.msk [tilespmem:v2+s29+$0x0], $0xffff;
	[tilespmem:s13+$0x9850] =	vst v6;
	v5 =	vcvt.s32.f32 v5  }
0x36: {  	s2 =	sor.u32 $0x8, s23;
	[tilespmem:s26+$0x9040] =	vst v11;
	v6 =	vadd.s32 s31, v0;
	v11 =	vcvt.s32.f32 v13;
	v7 =	vld.idx.msk [tilespmem:v7+s29+$0x0], $0xffff  }
0x37: {  	s20 =	sor.u32 $0x5, s3;
	v13 =	vadd.s32 s2, v0;
	v12 =	vld.idx.msk [tilespmem:v12+s29+$0x0], $0xffff;
	v9 =	vcvt.s32.f32 v9;
	[tilespmem:s19+$0x9870] =	vst v5  }
0x38: {  	s24 =	sor.u32 $0x8, s6;
	v8 =	vcvt.s32.f32 v8;
	v5 =	vadd.s32 s20, v0;
	[tilespmem:s25+$0x9060] =	vst v11;
	v3 =	vld.idx.msk [tilespmem:v3+s29+$0x0], $0xffff  }
0x39: {  	s30 =	sor.u32 $0x5, s0;
	v11 =	vadd.s32 s24, v0;
	v10 =	vcvt.s32.f32 v10;
	v14 =	vld.idx.msk [tilespmem:v14+s29+$0x0], $0xffff;
	[tilespmem:s28+$0xA000] =	vst v9  }
0x3a: {  	s31 =	sor.u32 $0x8, s4;
	[tilespmem:s21+$0x9820] =	vst v8;
	v9 =	vadd.s32 s30, v0;
	v2 =	vcvt.s32.f32 v2;
	v4 =	vld.idx.msk [tilespmem:v4+s29+$0x0], $0xffff  }
0x3b: {  	s2 =	sor.u32 $0x5, s7;
	v8 =	vadd.s32 s31, v0;
	[tilespmem:s18+$0xA010] =	vst v10;
	v6 =	vld.idx.msk [tilespmem:v6+s29+$0x0], $0xffff;
	v7 =	vcvt.s32.f32 v7  }
0x3c: {  	s20 =	sor.u32 $0x9, s22;
	v10 =	vadd.s32 s2, v0;
	v13 =	vld.idx.msk [tilespmem:v13+s29+$0x0], $0xffff;
	v12 =	vcvt.s32.f32 v12;
	[tilespmem:s15+$0x9830] =	vst v2  }
0x3d: {  	s24 =	sor.u32 $0x8, s1;
	v2 =	vld.idx.msk [tilespmem:v5+s29+$0x0], $0xffff;
	v5 =	vadd.s32 s20, v0;
	[tilespmem:s13+$0xA050] =	vst v7;
	v3 =	vcvt.s32.f32 v3  }
0x3e: {  	s30 =	sor.u32 $0x9, s23;
	v7 =	vadd.s32 s24, v0;
	[tilespmem:s26+$0x9840] =	vst v12;
	v12 =	vcvt.s32.f32 v14;
	v11 =	vld.idx.msk [tilespmem:v11+s29+$0x0], $0xffff  }
0x3f: {  	s31 =	sor.u32 $0x8, s3;
	v14 =	vadd.s32 s30, v0;
	v9 =	vld.idx.msk [tilespmem:v9+s29+$0x0], $0xffff;
	v4 =	vcvt.s32.f32 v4;
	[tilespmem:s19+$0xA070] =	vst v3  }
0x40: {  	s2 =	sor.u32 $0x9, s6;
	v3 =	vadd.s32 s31, v0;
	[tilespmem:s25+$0x9860] =	vst v12;
	v6 =	vcvt.s32.f32 v6;
	v8 =	vld.idx.msk [tilespmem:v8+s29+$0x0], $0xffff  }
0x41: {  	s20 =	sor.u32 $0x8, s0;
	v12 =	vadd.s32 s2, v0;
	v13 =	vcvt.s32.f32 v13;
	v10 =	vld.idx.msk [tilespmem:v10+s29+$0x0], $0xffff;
	[tilespmem:s28+$0xD800] =	vst v4  }
0x42: {  	s24 =	sor.u32 $0x9, s4;
	v4 =	vadd.s32 s20, v0;
	v2 =	vcvt.s32.f32 v2;
	[tilespmem:s21+$0xA020] =	vst v6;
	v5 =	vld.idx.msk [tilespmem:v5+s29+$0x0], $0xffff  }
0x43: {  	s30 =	sor.u32 $0x8, s7;
	v6 =	vadd.s32 s24, v0;
	[tilespmem:s18+$0xD810] =	vst v13;
	v7 =	vld.idx.msk [tilespmem:v7+s29+$0x0], $0xffff;
	v11 =	vcvt.s32.f32 v11  }
0x44: {  	s31 =	sor.u32 $0xA, s22;
	v13 =	vadd.s32 s30, v0;
	v14 =	vld.idx.msk [tilespmem:v14+s29+$0x0], $0xffff;
	v9 =	vcvt.s32.f32 v9;
	[tilespmem:s15+$0xA030] =	vst v2  }
0x45: {  	s2 =	sor.u32 $0x9, s1;
	v2 =	vld.idx.msk [tilespmem:v3+s29+$0x0], $0xffff;
	v3 =	vadd.s32 s31, v0;
	[tilespmem:s13+$0xD850] =	vst v11;
	v8 =	vcvt.s32.f32 v8  }
0x46: {  	s20 =	sor.u32 $0xA, s23;
	v11 =	vadd.s32 s2, v0;
	[tilespmem:s26+$0xA040] =	vst v9;
	v9 =	vcvt.s32.f32 v10;
	v10 =	vld.idx.msk [tilespmem:v12+s29+$0x0], $0xffff  }
0x47: {  	s24 =	sor.u32 $0x9, s3;
	v4 =	vld.idx.msk [tilespmem:v4+s29+$0x0], $0xffff;
	v12 =	vadd.s32 s20, v0;
	v5 =	vcvt.s32.f32 v5;
	[tilespmem:s19+$0xD870] =	vst v8  }
0x48: {  	s30 =	sor.u32 $0xA, s6;
	[tilespmem:s25+$0xA060] =	vst v9;
	v8 =	vadd.s32 s24, v0;
	v7 =	vcvt.s32.f32 v7;
	v6 =	vld.idx.msk [tilespmem:v6+s29+$0x0], $0xffff  }
0x49: {  	s31 =	sor.u32 $0x9, s0;
	v9 =	vadd.s32 s30, v0;
	v14 =	vcvt.s32.f32 v14;
	v13 =	vld.idx.msk [tilespmem:v13+s29+$0x0], $0xffff;
	[tilespmem:s28+$0xE000] =	vst v5  }
0x4a: {  	s2 =	sor.u32 $0xA, s4;
	v5 =	vadd.s32 s31, v0;
	v2 =	vcvt.s32.f32 v2;
	[tilespmem:s21+$0xD820] =	vst v7;
	v3 =	vld.idx.msk [tilespmem:v3+s29+$0x0], $0xffff  }
0x4b: {  	v15 =	vadd.s32 s2, v0;
	s20 =	sor.u32 $0x9, s7;
	v7 =	vadd.s32 s22, v0;
	[tilespmem:s18+$0xE010] =	vst v14;
	v11 =	vld.idx.msk [tilespmem:v11+s29+$0x0], $0xffff;
	v10 =	vcvt.s32.f32 v10  }
0x4c: {  	v14 =	vadd.s32 s20, v0;
	v7 =	vand.u32 $0xFF80, v7;
	v12 =	vld.idx.msk [tilespmem:v12+s29+$0x0], $0xffff;
	v4 =	vcvt.s32.f32 v4;
	[tilespmem:s15+$0xD830] =	vst v2  }
0x4d: {  	s24 =	sor.u32 $0xA, s1;
	v7 =	vor.u32 v1, v7;
	v2 =	vld.idx.msk [tilespmem:v8+s29+$0x0], $0xffff;
	[tilespmem:s13+$0xE050] =	vst v10;
	v6 =	vcvt.s32.f32 v6  }
0x4e: {  	[tilespmem:s26+$0xD840] =	vst v4;
	v4 =	vcvt.s32.f32 v13;
	v8 =	vld.idx.msk [tilespmem:v9+s29+$0x0], $0xffff;
	v9 =	vadd.s32 s24, v0  }
0x4f: {  	s30 =	sor.u32 $0xA, s3;
	v10 =	vadd.s32 s23, v0;
	v5 =	vld.idx.msk [tilespmem:v5+s29+$0x0], $0xffff;
	v3 =	vcvt.s32.f32 v3;
	[tilespmem:s19+$0xE070] =	vst v6  }
0x50: {  	[tilespmem:s25+$0xD860] =	vst v4;
	v4 =	vadd.s32 s30, v0;
	v11 =	vcvt.s32.f32 v11;
	v6 =	vld.idx.msk [tilespmem:v15+s29+$0x0], $0xffff  }
0x51: {  	s31 =	sor.u32 $0xA, s0;
	v13 =	vld.idx.msk [tilespmem:v14+s29+$0x0], $0xffff;
	v12 =	vcvt.s32.f32 v12;
	[tilespmem:s28+$0xE800] =	vst v3;
	v3 =	vadd.s32 s6, v0  }
0x52: {  	v14 =	vadd.s32 s31, v0;
	v2 =	vcvt.s32.f32 v2;
	[tilespmem:s21+$0xE020] =	vst v11;
	v7 =	vld.idx.msk [tilespmem:v7+s29+$0x0], $0xffff  }
0x53: {  	s2 =	sor.u32 $0xA, s7;
	v11 =	vadd.s32 s4, v0;
	[tilespmem:s18+$0xE810] =	vst v12;
	v9 =	vld.idx.msk [tilespmem:v9+s29+$0x0], $0xffff;
	v8 =	vcvt.s32.f32 v8  }
0x54: {  	v12 =	vadd.s32 s2, v0;
	v10 =	vld.idx.msk [tilespmem:v10+s29+$0x0], $0xffff;
	v5 =	vcvt.s32.f32 v5;
	[tilespmem:s15+$0xE030] =	vst v2  }
0x55: {  	v2 =	vld.idx.msk [tilespmem:v4+s29+$0x0], $0xffff;
	[tilespmem:s13+$0xE850] =	vst v8;
	v4 =	vcvt.s32.f32 v6  }
0x56: {  	[tilespmem:s26+$0xE040] =	vst v5;
	v5 =	vcvt.s32.f32 v13;
	v6 =	vadd.s32 s1, v0;
	v3 =	vld.idx.msk [tilespmem:v3+s29+$0x0], $0xffff  }
0x57: {  	v8 =	vld.idx.msk [tilespmem:v14+s29+$0x0], $0xffff;
	[tilespmem:s19+$0xE870] =	vst v4  }
0x58: {  	[tilespmem:s25+$0xE060] =	vst v5;
	v4 =	vadd.s32 s3, v0;
	v5 =	vld.idx.msk [tilespmem:v11+s29+$0x0], $0xffff;
	v9 =	vcvt.s32.f32 v9  }
0x59: {  	v11 =	vld.idx.msk [tilespmem:v12+s29+$0x0], $0xffff  }
0x5a: {  	v12 =	vadd.s32 s0, v0;
	v2 =	vcvt.s32.f32 v2;
	v13 =	vld.idx.msk [tilespmem:v7+s8+$0x0], $0xffff;
	[tilespmem:s21+$0xE820] =	vst v9  }
0x5b: {  	v6 =	vld.idx.msk [tilespmem:v6+s29+$0x0], $0xffff  }
0x5c: {  	v9 =	vld.idx.msk [tilespmem:v10+s8+$0x0], $0xffff;
	[tilespmem:s15+$0xE830] =	vst v2;
	v2 =	vcvt.s32.f32 v8;
	v8 =	vadd.s32 s7, v0  }
0x5d: {  	v14 =	vadd.s32 $0x8, v10;
	v4 =	vld.idx.msk [tilespmem:v4+s29+$0x0], $0xffff  }
0x5e: {  	v11 =	vcvt.s32.f32 v11;
	[tilespmem:s26+$0xE840] =	vst v2;
	v2 =	vld.idx.msk [tilespmem:v3+s8+$0x0], $0xffff  }
0x5f: {  	v15 =	vadd.s32 $0x8, v3;
	v12 =	vld.idx.msk [tilespmem:v12+s29+$0x0], $0xffff  }
0x60: {  	[tilespmem:s25+$0xE860] =	vst v11;
	v11 =	vld.idx.msk [tilespmem:v5+s8+$0x0], $0xffff  }
0x61: {  	[tilespmem:s10+$0x5800] =	vst v9;
	v8 =	vld.idx.msk [tilespmem:v8+s29+$0x0], $0xffff;
	v9 =	vadd.s32 $0x8, v5  }
0x62: {  	v14 =	vld.idx.msk [tilespmem:v14+s8+$0x0], $0xffff  }
0x63: {  	v10 =	vadd.s32 $0x10, v10;
	[tilespmem:s9+$0x5800] =	vst v2;
	v2 =	vld.idx.msk [tilespmem:v6+s8+$0x0], $0xffff  }
0x64: {  	v16 =	vadd.s32 $0x8, v6;
	v15 =	vld.idx.msk [tilespmem:v15+s8+$0x0], $0xffff  }
0x65: {  	v3 =	vadd.s32 $0x10, v3;
	[tilespmem:s12+$0x5800] =	vst v11;
	v11 =	vld.idx.msk [tilespmem:v4+s8+$0x0], $0xffff  }
0x66: {  	v17 =	vadd.s32 $0x8, v4;
	v9 =	vld.idx.msk [tilespmem:v9+s8+$0x0], $0xffff  }
0x67: {  	[tilespmem:s18+$0x6010] =	vst v14;
	v14 =	vld.idx.msk [tilespmem:v12+s8+$0x0], $0xffff  }
0x68: {  	v5 =	vadd.s32 $0x10, v5;
	v10 =	vld.idx.msk [tilespmem:v10+s8+$0x0], $0xffff;
	[tilespmem:s14+$0x5800] =	vst v2  }
0x69: {  	s12 =	sor.u32 $0x1, s23;
	v2 =	vld.idx.msk [tilespmem:v16+s8+$0x0], $0xffff;
	v16 =	vadd.s32 $0x8, v12;
	[tilespmem:s13+$0x6050] =	vst v15  }
0x6a: {  	v15 =	vadd.s32 s12, v0;
	[tilespmem:s17+$0x5800] =	vst v11;
	v3 =	vld.idx.msk [tilespmem:v3+s8+$0x0], $0xffff  }
0x6b: {  	v6 =	vadd.s32 $0x10, v6;
	s14 =	sor.u32 $0x1, s6;
	v11 =	vld.idx.msk [tilespmem:v17+s8+$0x0], $0xffff;
	[tilespmem:s19+$0x6070] =	vst v9  }
0x6c: {  	v9 =	vadd.s32 s14, v0;
	[tilespmem:s16+$0x5800] =	vst v14;
	v14 =	vld.idx.msk [tilespmem:v8+s8+$0x0], $0xffff  }
0x6d: {  	v17 =	vadd.s32 $0x8, v7;
	v5 =	vld.idx.msk [tilespmem:v5+s8+$0x0], $0xffff  }
0x6e: {  	v4 =	vadd.s32 $0x10, v4;
	s16 =	sor.u32 $0x1, s4;
	[tilespmem:s18+$0x6810] =	vst v10;
	v10 =	vld.idx.msk [tilespmem:v16+s8+$0x0], $0xffff  }
0x6f: {  	v16 =	vadd.s32 s16, v0;
	v15 =	vld.idx.msk [tilespmem:v15+s29+$0x0], $0xffff;
	[tilespmem:s21+$0x6020] =	vst v2  }
0x70: {  	v2 =	vadd.s32 $0x8, v8;
	v6 =	vld.idx.msk [tilespmem:v6+s8+$0x0], $0xffff;
	[tilespmem:s13+$0x6850] =	vst v3  }
0x71: {  	[tilespmem:s28+$0x5800] =	vst v13;
	s17 =	sor.u32 $0x1, s1;
	v3 =	vadd.s32 $0x10, v12;
	v9 =	vld.idx.msk [tilespmem:v9+s29+$0x0], $0xffff  }
0x72: {  	v12 =	vld.idx.msk [tilespmem:v17+s8+$0x0], $0xffff;
	[tilespmem:s15+$0x6030] =	vst v11;
	v11 =	vadd.s32 s17, v0  }
0x73: {  	s20 =	sor.u32 $0x1, s3;
	v7 =	vadd.s32 $0x10, v7;
	v4 =	vld.idx.msk [tilespmem:v4+s8+$0x0], $0xffff;
	[tilespmem:s19+$0x6870] =	vst v5  }
0x74: {  	v13 =	vadd.s32 s20, v0;
	[tilespmem:s11+$0x5800] =	vst v14;
	v5 =	vld.idx.msk [tilespmem:v16+s29+$0x0], $0xffff  }
0x75: {  	[tilespmem:s26+$0x6040] =	vst v10;
	v2 =	vld.idx.msk [tilespmem:v2+s8+$0x0], $0xffff;
	v10 =	vadd.s32 $0x18, v15  }
0x76: {  	s24 =	sor.u32 $0x1, s0;
	v3 =	vld.idx.msk [tilespmem:v3+s8+$0x0], $0xffff;
	[tilespmem:s21+$0x6820] =	vst v6;
	v6 =	vadd.s32 $0x18, v9  }
0x77: {  	[tilespmem:s28+$0x6000] =	vst v12;
	v11 =	vld.idx.msk [tilespmem:v11+s29+$0x0], $0xffff;
	v12 =	vadd.s32 s24, v0  }
0x78: {  	v8 =	vadd.s32 $0x10, v8;
	v7 =	vld.idx.msk [tilespmem:v7+s8+$0x0], $0xffff;
	[tilespmem:s15+$0x6830] =	vst v4  }
0x79: {  	s30 =	sor.u32 $0x1, s22;
	v4 =	vld.idx.msk [tilespmem:v13+s29+$0x0], $0xffff;
	v13 =	vadd.s32 $0x18, v5  }
0x7a: {  	v14 =	vadd.s32 s30, v0;
	v10 =	vld.idx.msk [tilespmem:v10+s8+$0x0], $0xffff  }
0x7b: {  	[tilespmem:s26+$0x6840] =	vst v3;
	v3 =	vadd.s32 $0x20, v15;
	v6 =	vld.idx.msk [tilespmem:v6+s8+$0x0], $0xffff  }
0x7c: {  	[tilespmem:s25+$0x6060] =	vst v2;
	v2 =	vadd.s32 $0x18, v11;
	v12 =	vld.idx.msk [tilespmem:v12+s29+$0x0], $0xffff  }
0x7d: {  	v16 =	vadd.s32 $0x20, v9;
	v8 =	vld.idx.msk [tilespmem:v8+s8+$0x0], $0xffff  }
0x7e: {  	[tilespmem:s28+$0x6800] =	vst v7;
	v7 =	vld.idx.msk [tilespmem:v13+s8+$0x0], $0xffff;
	v13 =	vadd.s32 $0x18, v4  }
0x7f: {  	s31 =	sor.u32 $0x1, s7;
	v14 =	vld.idx.msk [tilespmem:v14+s29+$0x0], $0xffff;
	[tilespmem:s18+$0x7010] =	vst v10;
	v10 =	vadd.s32 $0x20, v5  }
0x80: {  	v17 =	vadd.s32 s31, v0;
	v3 =	vld.idx.msk [tilespmem:v3+s8+$0x0], $0xffff  }
0x81: {  	v2 =	vld.idx.msk [tilespmem:v2+s8+$0x0], $0xffff;
	[tilespmem:s13+$0x7050] =	vst v6;
	v6 =	vadd.s32 $0x18, v12  }
0x82: {  	v18 =	vadd.s32 $0x20, v11;
	v16 =	vld.idx.msk [tilespmem:v16+s8+$0x0], $0xffff  }
0x83: {  	v13 =	vld.idx.msk [tilespmem:v13+s8+$0x0], $0xffff;
	[tilespmem:s19+$0x7070] =	vst v7;
	v7 =	vadd.s32 $0x28, v9  }
0x84: {  	v15 =	vadd.s32 $0x28, v15;
	[tilespmem:s25+$0x6860] =	vst v8;
	v8 =	vld.idx.msk [tilespmem:v10+s8+$0x0], $0xffff  }
0x85: {  	v9 =	vadd.s32 $0x20, v4;
	v10 =	vld.idx.msk [tilespmem:v17+s29+$0x0], $0xffff;
	[tilespmem:s18+$0x7810] =	vst v3  }
0x86: {  	v3 =	vadd.s32 $0x18, v14;
	[tilespmem:s21+$0x7020] =	vst v2;
	v2 =	vld.idx.msk [tilespmem:v6+s8+$0x0], $0xffff  }
0x87: {  	v5 =	vadd.s32 $0x28, v5;
	v6 =	vld.idx.msk [tilespmem:v18+s8+$0x0], $0xffff;
	[tilespmem:s13+$0x7850] =	vst v16  }
0x88: {  	s2 =	sor.u32 $0x6, s6;
	v16 =	vadd.s32 $0x20, v12;
	[tilespmem:s15+$0x7030] =	vst v13;
	v7 =	vld.idx.msk [tilespmem:v7+s8+$0x0], $0xffff  }
0x89: {  	v13 =	vld.idx.msk [tilespmem:v15+s8+$0x0], $0xffff;
	[tilespmem:s19+$0x7870] =	vst v8;
	v8 =	vadd.s32 s2, v0  }
0x8a: {  	s10 =	sor.u32 $0x6, s23;
	v11 =	vadd.s32 $0x28, v11;
	v9 =	vld.idx.msk [tilespmem:v9+s8+$0x0], $0xffff  }
0x8b: {  	v15 =	vadd.s32 s10, v0;
	v3 =	vld.idx.msk [tilespmem:v3+s8+$0x0], $0xffff;
	[tilespmem:s26+$0x7040] =	vst v2  }
0x8c: {  	s9 =	sor.u32 $0x6, s4;
	v4 =	vadd.s32 $0x28, v4;
	v5 =	vld.idx.msk [tilespmem:v5+s8+$0x0], $0xffff;
	[tilespmem:s21+$0x7820] =	vst v6  }
0x8d: {  	v2 =	vadd.s32 s9, v0;
	v6 =	vld.idx.msk [tilespmem:v16+s8+$0x0], $0xffff;
	[tilespmem:s13+$0x8050] =	vst v7  }
0x8e: {  	v7 =	vadd.s32 $0x28, v12;
	v8 =	vld.idx.msk [tilespmem:v8+s29+$0x0], $0xffff  }
0x8f: {  	s11 =	sor.u32 $0x6, s1;
	v11 =	vld.idx.msk [tilespmem:v11+s8+$0x0], $0xffff;
	v12 =	vadd.s32 $0x18, v10;
	[tilespmem:s18+$0x8010] =	vst v13  }
0x90: {  	[tilespmem:s15+$0x7830] =	vst v9;
	v9 =	vadd.s32 s11, v0;
	v13 =	vld.idx.msk [tilespmem:v15+s29+$0x0], $0xffff  }
0x91: {  	s12 =	sor.u32 $0x6, s3;
	v4 =	vld.idx.msk [tilespmem:v4+s8+$0x0], $0xffff;
	[tilespmem:s19+$0x8070] =	vst v5  }
0x92: {  	v5 =	vadd.s32 s12, v0;
	v2 =	vld.idx.msk [tilespmem:v2+s29+$0x0], $0xffff;
	[tilespmem:s26+$0x7840] =	vst v6  }
0x93: {  	s14 =	sor.u32 $0x6, s0;
	v6 =	vld.idx.msk [tilespmem:v7+s8+$0x0], $0xffff;
	v7 =	vadd.s32 $0x30, v8  }
0x94: {  	[tilespmem:s21+$0x8020] =	vst v11;
	v11 =	vadd.s32 s14, v0;
	v12 =	vld.idx.msk [tilespmem:v12+s8+$0x0], $0xffff  }
0x95: {  	v15 =	vadd.s32 $0x20, v14;
	v9 =	vld.idx.msk [tilespmem:v9+s29+$0x0], $0xffff  }
0x96: {  	v16 =	vadd.s32 $0x20, v10;
	[tilespmem:s15+$0x8030] =	vst v4  }
0x97: {  	v4 =	vld.idx.msk [tilespmem:v5+s29+$0x0], $0xffff;
	v5 =	vadd.s32 $0x30, v2  }
0x98: {  	[tilespmem:s26+$0x8040] =	vst v6;
	v6 =	vld.idx.msk [tilespmem:v7+s8+$0x0], $0xffff  }
0x99: {  	[tilespmem:s28+$0x7000] =	vst v3;
	v17 =	vadd.s32 $0x30, v13;
	v7 =	vld.idx.msk [tilespmem:v11+s29+$0x0], $0xffff  }
0x9a: {  	[tilespmem:s25+$0x7060] =	vst v12;
	v3 =	vadd.s32 $0x30, v9;
	v11 =	vld.idx.msk [tilespmem:v15+s8+$0x0], $0xffff  }
0x9b: {  	v15 =	vadd.s32 $0x38, v8;
	v16 =	vld.idx.msk [tilespmem:v16+s8+$0x0], $0xffff  }
0x9c: {  	v5 =	vld.idx.msk [tilespmem:v5+s8+$0x0], $0xffff;
	v12 =	vadd.s32 $0x30, v4  }
0x9d: {  	v10 =	vadd.s32 $0x28, v10  }
0x9e: {  	v18 =	vadd.s32 $0x38, v2;
	v17 =	vld.idx.msk [tilespmem:v17+s8+$0x0], $0xffff  }
0x9f: {  	v3 =	vld.idx.msk [tilespmem:v3+s8+$0x0], $0xffff;
	[tilespmem:s13+$0xA850] =	vst v6;
	v6 =	vadd.s32 $0x30, v7  }
0xa0: {  	v19 =	vadd.s32 $0x38, v9;
	[tilespmem:s25+$0x7860] =	vst v16;
	v15 =	vld.idx.msk [tilespmem:v15+s8+$0x0], $0xffff  }
0xa1: {  	v12 =	vld.idx.msk [tilespmem:v12+s8+$0x0], $0xffff;
	[tilespmem:s19+$0xA870] =	vst v5;
	v5 =	vadd.s32 $0x40, v8  }
0xa2: {  	s16 =	sor.u32 $0x6, s7;
	v16 =	vadd.s32 $0x38, v4;
	v10 =	vld.idx.msk [tilespmem:v10+s8+$0x0], $0xffff  }
0xa3: {  	v8 =	vld.idx.msk [tilespmem:v18+s8+$0x0], $0xffff;
	v18 =	vadd.s32 s16, v0  }
0xa4: {  	v2 =	vadd.s32 $0x40, v2;
	[tilespmem:s21+$0xA820] =	vst v3;
	v3 =	vld.idx.msk [tilespmem:v6+s8+$0x0], $0xffff  }
0xa5: {  	v6 =	vadd.s32 $0x38, v13;
	v19 =	vld.idx.msk [tilespmem:v19+s8+$0x0], $0xffff;
	[tilespmem:s13+$0xB050] =	vst v15  }
0xa6: {  	[tilespmem:s15+$0xA830] =	vst v12;
	v12 =	vadd.s32 $0x38, v7;
	v5 =	vld.idx.msk [tilespmem:v5+s8+$0x0], $0xffff  }
0xa7: {  	s17 =	sor.u32 $0x7, s6;
	v9 =	vadd.s32 $0x40, v9;
	[tilespmem:s25+$0x8060] =	vst v10;
	v15 =	vld.idx.msk [tilespmem:v16+s8+$0x0], $0xffff  }
0xa8: {  	[tilespmem:s19+$0xB070] =	vst v8;
	v8 =	vadd.s32 s17, v0;
	v10 =	vld.idx.msk [tilespmem:v18+s29+$0x0], $0xffff  }
0xa9: {  	s4 =	sor.u32 $0x7, s4;
	[tilespmem:s18+$0xA810] =	vst v17;
	v4 =	vadd.s32 $0x40, v4;
	v2 =	vld.idx.msk [tilespmem:v2+s8+$0x0], $0xffff  }
0xaa: {  	v16 =	vadd.s32 s4, v0;
	v6 =	vld.idx.msk [tilespmem:v6+s8+$0x0], $0xffff;
	[tilespmem:s26+$0xA840] =	vst v3  }
0xab: {  	v3 =	vadd.s32 $0x40, v13;
	[tilespmem:s21+$0xB020] =	vst v19;
	v12 =	vld.idx.msk [tilespmem:v12+s8+$0x0], $0xffff  }
0xac: {  	s1 =	sor.u32 $0x7, s1;
	v13 =	vadd.s32 $0x28, v14;
	v9 =	vld.idx.msk [tilespmem:v9+s8+$0x0], $0xffff;
	[tilespmem:s13+$0xB850] =	vst v5  }
0xad: {  	v5 =	vadd.s32 s1, v0;
	[tilespmem:s15+$0xB030] =	vst v15;
	v19 =	vld.idx.msk [tilespmem:v8+s29+$0x0], $0xffff  }
0xae: {  	s20 =	sor.u32 $0x7, s3;
	v4 =	vld.idx.msk [tilespmem:v4+s8+$0x0], $0xffff;
	[tilespmem:s19+$0xB870] =	vst v2;
	v2 =	vadd.s32 $0x30, v10  }
0xaf: {  	v8 =	vadd.s32 s20, v0;
	[tilespmem:s18+$0xB010] =	vst v6;
	v20 =	vld.idx.msk [tilespmem:v16+s29+$0x0], $0xffff  }
0xb0: {  	s24 =	sor.u32 $0x7, s23;
	[tilespmem:s28+$0x7800] =	vst v11;
	v6 =	vadd.s32 $0x40, v7;
	v3 =	vld.idx.msk [tilespmem:v3+s8+$0x0], $0xffff  }
0xb1: {  	v11 =	vld.idx.msk [tilespmem:v13+s8+$0x0], $0xffff;
	v13 =	vadd.s32 s24, v0;
	[tilespmem:s21+$0xB820] =	vst v9  }
0xb2: {  	s30 =	sor.u32 $0x6, s22;
	v7 =	vld.idx.msk [tilespmem:v5+s29+$0x0], $0xffff;
	v5 =	vadd.s32 $0x48, v19  }
0xb3: {  	v9 =	vadd.s32 s30, v0;
	[tilespmem:s15+$0xB830] =	vst v4;
	v2 =	vld.idx.msk [tilespmem:v2+s8+$0x0], $0xffff  }
0xb4: {  	[tilespmem:s26+$0xB040] =	vst v12;
	v8 =	vld.idx.msk [tilespmem:v8+s29+$0x0], $0xffff;
	v4 =	vadd.s32 $0x48, v20  }
0xb5: {  	s0 =	sor.u32 $0x7, s0;
	v12 =	vld.idx.msk [tilespmem:v6+s8+$0x0], $0xffff;
	[tilespmem:s18+$0xB810] =	vst v3;
	v3 =	vadd.s32 $0x38, v10  }
0xb6: {  	v14 =	vadd.s32 s0, v0;
	v6 =	vld.idx.msk [tilespmem:v13+s29+$0x0], $0xffff  }
0xb7: {  	[tilespmem:s28+$0x8000] =	vst v11;
	v11 =	vld.idx.msk [tilespmem:v5+s8+$0x0], $0xffff;
	v13 =	vadd.s32 $0x48, v7  }
0xb8: {  	v5 =	vld.idx.msk [tilespmem:v9+s29+$0x0], $0xffff;
	v9 =	vadd.s32 $0x50, v19  }
0xb9: {  	[tilespmem:s25+$0xA860] =	vst v2;
	v15 =	vld.idx.msk [tilespmem:v4+s8+$0x0], $0xffff;
	v4 =	vadd.s32 $0x48, v8  }
0xba: {  	[tilespmem:s26+$0xB840] =	vst v12;
	v12 =	vadd.s32 $0x50, v20;
	v3 =	vld.idx.msk [tilespmem:v3+s8+$0x0], $0xffff  }
0xbb: {  	v10 =	vadd.s32 $0x40, v10;
	v2 =	vld.idx.msk [tilespmem:v14+s29+$0x0], $0xffff  }
0xbc: {  	v21 =	vadd.s32 $0x48, v6;
	v14 =	vld.idx.msk [tilespmem:v13+s8+$0x0], $0xffff;
	[tilespmem:s13+$0xC050] =	vst v11  }
0xbd: {  	v13 =	vld.idx.msk [tilespmem:v9+s8+$0x0], $0xffff  }
0xbe: {  	v4 =	vld.idx.msk [tilespmem:v4+s8+$0x0], $0xffff;
	[tilespmem:s19+$0xC070] =	vst v15  }
0xbf: {  	[tilespmem:s25+$0xB060] =	vst v3;
	v9 =	vld.idx.msk [tilespmem:v12+s8+$0x0], $0xffff  }
0xc0: {  	s31 =	sor.u32 $0x7, s7;
	v16 =	vadd.s32 $0x58, v19;
	v17 =	vadd.s32 $0x50, v7;
	v18 =	vadd.s32 $0x30, v5;
	v15 =	vld.idx.msk [tilespmem:v10+s8+$0x0], $0xffff  }
0xc1: {  	s1 =	sor.u32 $0x7, s22;
	s22 =	simm.s32 $0x8;
	v11 =	vadd.s32 $0x58, v20;
	v3 =	vadd.s32 s31, v0;
	v12 =	vadd.s32 $0x50, v8;
	v10 =	vld.idx.msk [tilespmem:v21+s8+$0x0], $0xffff  }
.LBB2_3:
0xc2: {  	[dreg:$0x1f] =	wrdreg s1  }
0xc3: {  	[dreg:$0x3] =	wrdreg s26  }
0xc4: {  	s0 =	smul.u32 $0xB0, s22;
	s4 =	sor.u32 $0x1, s22;
	s2 =	sor.u32 $0x7, s22  }
0xc5: {  	s1 =	sor.u32 $0x2, s22;
	s17 =	sor.u32 $0x5, s22;
	s11 =	sor.u32 $0x3, s22  }
0xc6: {  	[smem:$0x7DE] =	sst s2;
	s26 =	smul.u32 $0xB0, s2;
	s2 =	sshll.u32 s1, $0x4  }
0xc7: {  	s31 =	smul.u32 $0xB0, s4;
	s3 =	sor.u32 $0x4, s0;
	[dreg:$0x14] =	wrdreg s2  }
0xc8: {  	s5 =	smov.u32 s21;
	s20 =	sor.u32 $0x9, s0;
	[smem:$0x7DD] =	sst s3  }
0xc9: {  	s16 =	smul.u32 $0xB0, s1;
	s30 =	sor.u32 $0x5, s31;
	[smem:$0x7E9] =	sst s20  }
0xca: {  	s7 =	sor.u32 $0x2, s0;
	s14 =	sor.u32 $0x4, s31;
	[smem:$0x7E2] =	sst s30  }
0xcb: {  	s3 =	smul.u32 $0xB0, s11;
	s11 =	sshll.u32 s11, $0x4;
	[tilespmem:s21+$0xC020] =	vst v14;
	[smem:$0x7DF] =	sst s14  }
0xcc: {  	s24 =	sor.u32 $0x2, s31;
	[tilespmem:s13+$0xC850] =	vst v13;
	s21 =	sshll.u32 s4, $0x4;
	[dreg:$0x15] =	wrdreg s11  }
0xcd: {  	[tilespmem:s19+$0xC870] =	vst v9;
	v9 =	vadd.s32 s24, v0;
	s24 =	smul.u32 $0xB0, s17;
	s30 =	sor.u32 $0x4, s16;
	[dreg:$0x18] =	wrdreg s21  }
0xce: {  	v20 =	vadd.s32 s7, v0;
	s7 =	sor.u32 $0x6, s22;
	[tilespmem:s15+$0xC030] =	vst v4;
	v16 =	vld.idx.msk [tilespmem:v16+s8+$0x0], $0xffff;
	[smem:$0x7E3] =	sst s30  }
0xcf: {  	v12 =	vld.idx.msk [tilespmem:v12+s8+$0x0], $0xffff;
	s30 =	smul.u32 $0xB0, s7;
	s7 =	sshll.u32 s7, $0x4;
	s10 =	sor.u32 $0x2, s24  }
0xd0: {  	v18 =	vld.idx.msk [tilespmem:v18+s8+$0x0], $0xffff;
	s23 =	smov.u32 s22;
	[tilespmem:s25+$0xB860] =	vst v15;
	[dreg:$0x1c] =	wrdreg s7;
	v15 =	vadd.s32 s10, v0;
	s10 =	sor.u32 $0x5, s0  }
0xd1: {  	v19 =	vadd.s32 $0x38, v5;
	[smem:$0x7E1] =	sst s10;
	s10 =	smov.u32 s25;
	s25 =	sor.u32 $0x4, s24  }
0xd2: {  	s23 =	sor.u32 $0x4, s22;
	v14 =	vadd.s32 $0x50, v6;
	[smem:$0x7E0] =	sst s25;
	s25 =	sor.u32 $0x9, s26  }
0xd3: {  	s12 =	sor.u32 $0x2, s26;
	v17 =	vld.idx.msk [tilespmem:v17+s8+$0x0], $0xffff;
	[tilespmem:s13+$0xD050] =	vst v16;
	s13 =	sor.u32 $0x9, s31;
	[smem:$0x7EE] =	sst s25  }
0xd4: {  	s6 =	sor.u32 $0x3, s0;
	v11 =	vld.idx.msk [tilespmem:v11+s8+$0x0], $0xffff;
	[tilespmem:s15+$0xC830] =	vst v12;
	v12 =	vadd.s32 s12, v0;
	s12 =	sor.u32 $0x8, s26;
	[smem:$0x7EA] =	sst s13  }
0xd5: {  	v13 =	vadd.s32 s0, v0;
	s4 =	smul.u32 $0xB0, s23;
	v3 =	vld.idx.msk [tilespmem:v3+s29+$0x0], $0xffff;
	[tilespmem:s28+$0xA800] =	vst v18;
	v16 =	vadd.s32 s6, v0;
	s6 =	sor.u32 $0xA, s0;
	[smem:$0x7E8] =	sst s12  }
0xd6: {  	[tilespmem:s18+$0xC010] =	vst v10;
	v4 =	vand.u32 $0xFF80, v13;
	v13 =	vld.idx.msk [tilespmem:v19+s8+$0x0], $0xffff;
	s25 =	sor.u32 $0x5, s26;
	[smem:$0x7EF] =	sst s6  }
0xd7: {  	v10 =	vld.idx.msk [tilespmem:v14+s8+$0x0], $0xffff;
	s12 =	sor.u32 $0xA, s4;
	[smem:$0x7E5] =	sst s25  }
0xd8: {  	v14 =	vld.idx.msk [tilespmem:v20+s29+$0x0], $0xffff;
	s13 =	sor.u32 $0x2, s3;
	s6 =	sor.u32 $0xA, s31;
	[smem:$0x7F1] =	sst s12  }
0xd9: {  	v9 =	vld.idx.msk [tilespmem:v9+s29+$0x0], $0xffff;
	[tilespmem:s5+$0xC820] =	vst v17;
	[smem:$0x7F0] =	sst s6;
	v17 =	vadd.s32 s13, v0;
	s13 =	sor.u32 $0x8, s4  }
0xda: {  	v8 =	vadd.s32 $0x58, v8;
	s6 =	sand.u32 $0x780, s21;
	s21 =	sor.u32 $0x8, s24;
	[smem:$0x7E7] =	sst s13  }
0xdb: {  	s1 =	sshll.u32 s22, $0x4;
	v6 =	vadd.s32 $0x58, v6;
	[smem:$0x7E6] =	sst s21;
	s13 =	sshll.u32 s23, $0x4  }
0xdc: {  	s9 =	sor.u32 $0x3, s31;
	[tilespmem:s19+$0xD070] =	vst v11;
	s21 =	sor.u32 $0xA, s16;
	[dreg:$0x13] =	wrdreg s13  }
0xdd: {  	s14 =	sor.u32 $0x2, s16;
	v11 =	vadd.s32 $0x48, v3;
	[tilespmem:s18+$0xC810] =	vst v10;
	v10 =	vadd.s32 s9, v0;
	s9 =	sor.u32 $0x1, s24;
	[smem:$0x7F3] =	sst s21  }
0xde: {  	s20 =	sor.u32 $0x2, s4;
	[tilespmem:s28+$0xB000] =	vst v13;
	v13 =	vcvt.s32.f32 v14;
	v14 =	vadd.s32 s14, v0;
	v9 =	vcvt.s32.f32 v9;
	s14 =	sor.u32 $0x5, s24;
	[dreg:$0x10] =	wrdreg s9  }
0xdf: {  	v7 =	vadd.s32 $0x58, v7;
	v8 =	vld.idx.msk [tilespmem:v8+s8+$0x0], $0xffff;
	s12 =	sor.u32 $0x3, s24;
	s21 =	sor.u32 $0xA, s3;
	[smem:$0x7E4] =	sst s14  }
0xe0: {  	v6 =	vld.idx.msk [tilespmem:v6+s8+$0x0], $0xffff;
	s9 =	sand.u32 $0x3FFFFFF0, s1;
	[smem:$0x7F4] =	sst s21;
	[tilespmem:s6+$0x8810] =	vst v9;
	v9 =	vadd.s32 s12, v0;
	s12 =	sor.u32 $0x9, s24  }
0xe1: {  	v15 =	vld.idx.msk [tilespmem:v15+s29+$0x0], $0xffff;
	[tilespmem:s9+$0x8800] =	vst v13;
	v13 =	vadd.s32 s20, v0;
	s20 =	sshll.u32 s17, $0x4;
	[smem:$0x7EC] =	sst s12  }
0xe2: {  	v11 =	vld.idx.msk [tilespmem:v11+s8+$0x0], $0xffff;
	[dreg:$0x1b] =	wrdreg s20  }
0xe3: {  	s23 =	sand.u32 $0x780, s13;
	s21 =	sor.u32 $0x3, s30;
	v16 =	vld.idx.msk [tilespmem:v16+s29+$0x0], $0xffff;
	s12 =	sld [smem:$0x7DD]  }
0xe4: {  	v7 =	vld.idx.msk [tilespmem:v7+s8+$0x0], $0xffff;
	v19 =	vadd.s32 s21, v0;
	s21 =	sor.u32 $0x6, s26;
	s13 =	sand.u32 $0x780, s20;
	s20 =	sld [smem:$0x7DF]  }
0xe5: {  	s19 =	sor.u32 $0x2, s30;
	[dreg:$0xe] =	wrdreg s21;
	s21 =	sor.u32 $0x6, s4  }
0xe6: {  	v18 =	vadd.s32 s19, v0;
	s19 =	sor.u32 $0x3, s26;
	[dreg:$0xa] =	wrdreg s21  }
0xe7: {  	s25 =	sor.u32 $0x3, s16;
	[tilespmem:s15+$0xD030] =	vst v8;
	s21 =	sor.u32 $0x7, s3;
	v8 =	vld.idx.msk [tilespmem:v14+s29+$0x0], $0xffff;
	v14 =	vcvt.s32.f32 v15;
	v15 =	vadd.s32 s19, v0;
	s19 =	sld [smem:$0x7DE]  }
0xe8: {  	v10 =	vld.idx.msk [tilespmem:v10+s29+$0x0], $0xffff;
	[dreg:$0x4] =	wrdreg s21;
	[tilespmem:s10+$0xC060] =	vst v11;
	v11 =	vcvt.s32.f32 v16;
	v16 =	vadd.s32 s25, v0;
	s25 =	sor.u32 $0x8, s30  }
0xe9: {  	[tilespmem:s5+$0xD020] =	vst v7;
	v13 =	vld.idx.msk [tilespmem:v13+s29+$0x0], $0xffff;
	[smem:$0x7ED] =	sst s25;
	s25 =	sor.u32 $0x9, s30  }
0xea: {  	s14 =	sor.u32 $0x3, s4;
	v7 =	vld.idx.msk [tilespmem:v17+s29+$0x0], $0xffff;
	[tilespmem:s13+$0x8850] =	vst v14;
	[smem:$0x7F2] =	sst s25  }
0xeb: {  	[tilespmem:s9+$0x9000] =	vst v11;
	v11 =	vadd.s32 s14, v0;
	s14 =	sor.u32 $0x1, s16;
	s25 =	sld [smem:$0x7E0]  }
0xec: {  	s1 =	sand.u32 $0x780, s2;
	v9 =	vld.idx.msk [tilespmem:v9+s29+$0x0], $0xffff;
	v8 =	vcvt.s32.f32 v8;
	[dreg:$0x19] =	wrdreg s14;
	s14 =	sor.u32 $0x1, s26  }
0xed: {  	v12 =	vld.idx.msk [tilespmem:v12+s29+$0x0], $0xffff;
	[tilespmem:s18+$0xD010] =	vst v6;
	v17 =	vadd.s32 s12, v0;
	s12 =	sor.u32 $0x4, s4;
	v10 =	vcvt.s32.f32 v10;
	[dreg:$0x1d] =	wrdreg s14;
	s14 =	sor.u32 $0x1, s4  }
0xee: {  	[tilespmem:s1+$0x8820] =	vst v8;
	v8 =	vcvt.s32.f32 v13;
	v13 =	vadd.s32 s12, v0;
	s12 =	sor.u32 $0x1, s0;
	[dreg:$0x17] =	wrdreg s14  }
0xef: {  	s15 =	sand.u32 $0x780, s11;
	v7 =	vcvt.s32.f32 v7;
	[tilespmem:s6+$0x9010] =	vst v10;
	v10 =	vadd.s32 s25, v0;
	s25 =	sor.u32 $0x1, s3;
	[dreg:$0x16] =	wrdreg s12  }
0xf0: {  	s11 =	sor.u32 $0x4, s26;
	s14 =	sor.u32 $0x6, s24;
	[dreg:$0x1a] =	wrdreg s25  }
0xf1: {  	v6 =	vadd.s32 $0x50, v3;
	[tilespmem:s15+$0x8830] =	vst v7;
	v7 =	vcvt.s32.f32 v9;
	v9 =	vadd.s32 s11, v0;
	s11 =	sor.u32 $0x6, s16;
	[dreg:$0xf] =	wrdreg s14  }
0xf2: {  	v12 =	vcvt.s32.f32 v12;
	s2 =	sshll.u32 s19, $0x4;
	s12 =	sor.u32 $0x6, s3;
	[dreg:$0xc] =	wrdreg s11  }
0xf3: {  	v14 =	vadd.s32 s20, v0;
	s20 =	sand.u32 $0x780, s2;
	[dreg:$0xb] =	wrdreg s12  }
0xf4: {  	s17 =	sor.u32 $0x3, s3;
	v18 =	vld.idx.msk [tilespmem:v18+s29+$0x0], $0xffff;
	[tilespmem:s20+$0x8870] =	vst v12;
	s14 =	sld [smem:$0x7E1]  }
0xf5: {  	v12 =	vadd.s32 s17, v0;
	v15 =	vld.idx.msk [tilespmem:v15+s29+$0x0], $0xffff;
	s25 =	sor.u32 $0x1, s30;
	s12 =	sld [smem:$0x7E2]  }
0xf6: {  	v6 =	vld.idx.msk [tilespmem:v6+s8+$0x0], $0xffff;
	s11 =	sor.u32 $0x6, s30;
	[dreg:$0x12] =	wrdreg s25  }
0xf7: {  	v17 =	vld.idx.msk [tilespmem:v17+s29+$0x0], $0xffff;
	s25 =	sor.u32 $0x6, s31;
	[dreg:$0x9] =	wrdreg s11  }
0xf8: {  	v14 =	vld.idx.msk [tilespmem:v14+s29+$0x0], $0xffff;
	[dreg:$0xd] =	wrdreg s25;
	s25 =	sor.u32 $0x7, s24  }
0xf9: {  	v16 =	vld.idx.msk [tilespmem:v16+s29+$0x0], $0xffff;
	[tilespmem:s23+$0x8840] =	vst v8;
	v8 =	vcvt.s32.f32 v18;
	v20 =	vadd.s32 s14, v0;
	[dreg:$0x7] =	wrdreg s25;
	s14 =	sor.u32 $0x7, s16  }
0xfa: {  	s7 =	sand.u32 $0x780, s7;
	v12 =	vld.idx.msk [tilespmem:v12+s29+$0x0], $0xffff;
	s25 =	sor.u32 $0x7, s26;
	[dreg:$0x6] =	wrdreg s14  }
0xfb: {  	v18 =	vadd.s32 $0x58, v3;
	v11 =	vld.idx.msk [tilespmem:v11+s29+$0x0], $0xffff;
	[tilespmem:s7+$0x8860] =	vst v8;
	[dreg:$0x8] =	wrdreg s25  }
0xfc: {  	s19 =	smov.u32 s10;
	[tilespmem:s13+$0x9050] =	vst v7;
	v3 =	vcvt.s32.f32 v15;
	v8 =	vcvt.s32.f32 v17;
	v7 =	vadd.s32 s12, v0;
	v17 =	vld.idx.msk [tilespmem:v19+s29+$0x0], $0xffff;
	s14 =	sld [smem:$0x7E3]  }
0xfd: {  	s18 =	sor.u32 $0x4, s3;
	s11 =	sor.u32 $0x6, s0;
	[tilespmem:s19+$0xC860] =	vst v6;
	v10 =	vld.idx.msk [tilespmem:v10+s29+$0x0], $0xffff;
	s25 =	sld [smem:$0x7E4]  }
0xfe: {  	[dreg:$0x5] =	wrdreg s11;
	v19 =	vadd.s32 s18, v0;
	[tilespmem:s20+$0x9070] =	vst v3;
	v14 =	vcvt.s32.f32 v14  }
0xff: {  	s21 =	sor.u32 $0x7, s30;
	s11 =	sld [smem:$0x7E5];
	s18 =	smov.u32 s6;
	[tilespmem:s9+$0x9800] =	vst v8;
	v6 =	vcvt.s32.f32 v16;
	v9 =	vld.idx.msk [tilespmem:v9+s29+$0x0], $0xffff;
	v15 =	vadd.s32 s14, v0  }
0x100: {  	v3 =	vadd.s32 s21, v0;
	s21 =	smov.u32 s1;
	[tilespmem:s18+$0x9810] =	vst v14;
	v12 =	vcvt.s32.f32 v12;
	v14 =	vadd.s32 s25, v0;
	v16 =	vld.idx.msk [tilespmem:v20+s29+$0x0], $0xffff  }
0x101: {  	[smem:$0x7EB] =	sst s28;
	[tilespmem:s21+$0x9020] =	vst v6;
	v6 =	vcvt.s32.f32 v11;
	v7 =	vld.idx.msk [tilespmem:v7+s29+$0x0], $0xffff  }
0x102: {  	p0 =	slt.u32 s22, $0x78;
	s10 =	sor.u32 $0x1, s31;
	s17 =	sor.u32 $0x4, s30;
	v8 =	vld.idx.msk [tilespmem:v18+s8+$0x0], $0xffff;
	[tilespmem:s15+$0x9030] =	vst v12;
	v12 =	vadd.s32 s11, v0;
	v10 =	vcvt.s32.f32 v10  }
0x103: {  	s28 =	sor.u32 $0x8, s31;
	[dreg:$0x1e] =	wrdreg s10;
	s10 =	sor.u32 $0xA, s30;
	v18 =	vadd.s32 s17, v0;
	[tilespmem:s23+$0x9040] =	vst v6;
	v6 =	vcvt.s32.f32 v17;
	v19 =	vld.idx.msk [tilespmem:v19+s29+$0x0], $0xffff  }
0x104: {  	v5 =	vadd.s32 $0x40, v5;
	[smem:$0x7F5] =	sst s10;
	s10 =	sor.u32 $0x7, s0;
	s0 =	sor.u32 $0x8, s0;
	v9 =	vcvt.s32.f32 v9;
	[tilespmem:s13+$0x9850] =	vst v10;
	v15 =	vld.idx.msk [tilespmem:v15+s29+$0x0], $0xffff  }
0x105: {  	s5 =	sor.u32 $0x5, s3;
	[smem:$0x7F6] =	sst s2;
	s12 =	sor.u32 $0x7, s31;
	v17 =	vadd.s32 s0, v0;
	[tilespmem:s7+$0x9060] =	vst v6;
	v14 =	vld.idx.msk [tilespmem:v14+s29+$0x0], $0xffff;
	v6 =	vcvt.s32.f32 v16  }
0x106: {  	[dreg:$0x11] =	wrdreg s12;
	s12 =	sadd.s32 $0x8, s22;
	s22 =	sor.u32 $0x5, s4;
	v13 =	vld.idx.msk [tilespmem:v13+s29+$0x0], $0xffff;
	v10 =	vadd.s32 s28, v0;
	[tilespmem:s20+$0x9870] =	vst v9;
	v7 =	vcvt.s32.f32 v7  }
0x107: {  	s17 =	sor.u32 $0x5, s16;
	v11 =	vadd.s32 s22, v0;
	s22 =	sld [smem:$0x7E6];
	v9 =	vadd.s32 s5, v0;
	v12 =	vld.idx.msk [tilespmem:v12+s29+$0x0], $0xffff;
	[tilespmem:s9+$0xA000] =	vst v6  }
0x108: {  	v18 =	vld.idx.msk [tilespmem:v18+s29+$0x0], $0xffff;
	s5 =	sld [smem:$0x7E8];
	v16 =	vadd.s32 s17, v0;
	[tilespmem:s18+$0xA010] =	vst v7;
	v7 =	vcvt.s32.f32 v19  }
0x109: {  	s1 =	sld [smem:$0x7E7];
	[tilespmem:s19+$0xD060] =	vst v8;
	v5 =	vld.idx.msk [tilespmem:v5+s8+$0x0], $0xffff;
	v6 =	vcvt.s32.f32 v15  }
0x10a: {  	s6 =	rddreg [dreg:$0x1f];
	v8 =	vld.idx.msk [tilespmem:v17+s29+$0x0], $0xffff;
	v15 =	vadd.s32 s22, v0;
	[tilespmem:s15+$0x9830] =	vst v7;
	v7 =	vcvt.s32.f32 v14  }
0x10b: {  	s2 =	sor.u32 $0x5, s30;
	s25 =	smov.u32 s7;
	s7 =	sld [smem:$0x7E9];
	v10 =	vld.idx.msk [tilespmem:v10+s29+$0x0], $0xffff;
	v14 =	vadd.s32 s5, v0;
	[tilespmem:s21+$0x9820] =	vst v6;
	v6 =	vcvt.s32.f32 v13  }
0x10c: {  	v17 =	vadd.s32 s2, v0;
	v9 =	vld.idx.msk [tilespmem:v9+s29+$0x0], $0xffff;
	v13 =	vadd.s32 s1, v0;
	s1 =	smov.u32 s10;
	[tilespmem:s13+$0xA050] =	vst v7;
	v7 =	vcvt.s32.f32 v12;
	s10 =	sld [smem:$0x7EA]  }
0x10d: {  	s5 =	sld [smem:$0x7EB];
	v16 =	vld.idx.msk [tilespmem:v16+s29+$0x0], $0xffff;
	[tilespmem:s23+$0x9840] =	vst v6;
	v6 =	vcvt.s32.f32 v18;
	v18 =	vadd.s32 s6, v0  }
0x10e: {  	v19 =	vadd.s32 s7, v0;
	[tilespmem:s20+$0xA070] =	vst v7;
	v11 =	vld.idx.msk [tilespmem:v11+s29+$0x0], $0xffff  }
0x10f: {  	s11 =	sor.u32 $0x8, s16;
	v12 =	vadd.s32 s10, v0;
	v15 =	vld.idx.msk [tilespmem:v15+s29+$0x0], $0xffff;
	[tilespmem:s25+$0x9860] =	vst v6;
	v6 =	vcvt.s32.f32 v8  }
0x110: {  	s17 =	sor.u32 $0x8, s3;
	s2 =	sld [smem:$0x7EC];
	[tilespmem:s5+$0xB800] =	vst v5;
	v14 =	vld.idx.msk [tilespmem:v14+s29+$0x0], $0xffff;
	v8 =	vadd.s32 s11, v0  }
0x111: {  	s7 =	sld [smem:$0x7ED];
	v7 =	vcvt.s32.f32 v10;
	v10 =	vadd.s32 s17, v0;
	v17 =	vld.idx.msk [tilespmem:v17+s29+$0x0], $0xffff;
	[tilespmem:s9+$0xD800] =	vst v6  }
0x112: {  	s10 =	sld [smem:$0x7EE];
	v6 =	vcvt.s32.f32 v16;
	v5 =	vld.idx.msk [tilespmem:v18+s29+$0x0], $0xffff  }
0x113: {  	[tilespmem:s18+$0xD810] =	vst v7;
	v7 =	vcvt.s32.f32 v9;
	v9 =	vadd.s32 s2, v0;
	s11 =	sld [smem:$0x7EF];
	v16 =	vld.idx.msk [tilespmem:v19+s29+$0x0], $0xffff  }
0x114: {  	s17 =	sld [smem:$0x7F0];
	v18 =	vadd.s32 s7, v0;
	v12 =	vld.idx.msk [tilespmem:v12+s29+$0x0], $0xffff;
	[tilespmem:s21+$0xA020] =	vst v6;
	v6 =	vcvt.s32.f32 v11  }
0x115: {  	[tilespmem:s15+$0xA030] =	vst v7;
	v7 =	vcvt.s32.f32 v15;
	v15 =	vadd.s32 s10, v0;
	v8 =	vld.idx.msk [tilespmem:v8+s29+$0x0], $0xffff  }
0x116: {  	s22 =	sor.u32 $0x9, s4;
	v10 =	vld.idx.msk [tilespmem:v10+s29+$0x0], $0xffff;
	[tilespmem:s23+$0xA040] =	vst v6;
	v6 =	vcvt.s32.f32 v17;
	v17 =	vadd.s32 s11, v0  }
0x117: {  	v11 =	vadd.s32 s22, v0;
	s22 =	sor.u32 $0x9, s16;
	[tilespmem:s13+$0xD850] =	vst v7;
	v7 =	vcvt.s32.f32 v14;
	v14 =	vadd.s32 s17, v0;
	v13 =	vld.idx.msk [tilespmem:v13+s29+$0x0], $0xffff  }
0x118: {  	s2 =	sor.u32 $0x9, s3;
	v9 =	vld.idx.msk [tilespmem:v9+s29+$0x0], $0xffff;
	[tilespmem:s25+$0xA060] =	vst v6;
	v6 =	vcvt.s32.f32 v16;
	v16 =	vadd.s32 s22, v0  }
0x119: {  	s10 =	sld [smem:$0x7F2];
	[tilespmem:s20+$0xD870] =	vst v7;
	v18 =	vld.idx.msk [tilespmem:v18+s29+$0x0], $0xffff;
	v7 =	vcvt.s32.f32 v12;
	v12 =	vadd.s32 s2, v0  }
0x11a: {  	s6 =	sor.u32 $0xA, s24;
	v15 =	vld.idx.msk [tilespmem:v15+s29+$0x0], $0xffff;
	[tilespmem:s9+$0xE000] =	vst v6;
	v6 =	vcvt.s32.f32 v8  }
0x11b: {  	v8 =	vld.idx.msk [tilespmem:v17+s29+$0x0], $0xffff;
	[tilespmem:s18+$0xE010] =	vst v7;
	v7 =	vcvt.s32.f32 v10;
	v10 =	vadd.s32 s6, v0  }
0x11c: {  	s11 =	sor.u32 $0xA, s26;
	v17 =	vadd.s32 s10, v0;
	v14 =	vld.idx.msk [tilespmem:v14+s29+$0x0], $0xffff;
	[tilespmem:s21+$0xD820] =	vst v6;
	v6 =	vcvt.s32.f32 v13  }
0x11d: {  	v16 =	vld.idx.msk [tilespmem:v16+s29+$0x0], $0xffff;
	[tilespmem:s15+$0xD830] =	vst v7;
	v7 =	vcvt.s32.f32 v9;
	v9 =	vadd.s32 s11, v0  }
0x11e: {  	s17 =	sld [smem:$0x7F3];
	v12 =	vld.idx.msk [tilespmem:v12+s29+$0x0], $0xffff;
	[tilespmem:s23+$0xD840] =	vst v6;
	v6 =	vcvt.s32.f32 v18;
	v18 =	vadd.s32 $0x48, v5  }
0x11f: {  	v4 =	vor.u32 v1, v4;
	s22 =	sld [smem:$0x7F4];
	v11 =	vld.idx.msk [tilespmem:v11+s29+$0x0], $0xffff;
	[tilespmem:s13+$0xE050] =	vst v7;
	v7 =	vcvt.s32.f32 v15  }
0x120: {  	s7 =	sld [smem:$0x7F1];
	v15 =	vadd.s32 s31, v0;
	v10 =	vld.idx.msk [tilespmem:v10+s29+$0x0], $0xffff;
	[tilespmem:s25+$0xD860] =	vst v6;
	v6 =	vcvt.s32.f32 v8  }
0x121: {  	v8 =	vadd.s32 s17, v0;
	v17 =	vld.idx.msk [tilespmem:v17+s29+$0x0], $0xffff;
	[tilespmem:s20+$0xE070] =	vst v7  }
0x122: {  	s31 =	sld [smem:$0x7F5];
	v7 =	vcvt.s32.f32 v14;
	v14 =	vadd.s32 s22, v0;
	v9 =	vld.idx.msk [tilespmem:v9+s29+$0x0], $0xffff;
	[tilespmem:s9+$0xE800] =	vst v6  }
0x123: {  	v13 =	vadd.s32 s7, v0;
	v6 =	vcvt.s32.f32 v16;
	v16 =	vld.idx.msk [tilespmem:v18+s8+$0x0], $0xffff  }
0x124: {  	v4 =	vld.idx.msk [tilespmem:v4+s29+$0x0], $0xffff;
	[tilespmem:s18+$0xE810] =	vst v7;
	v7 =	vcvt.s32.f32 v12;
	v12 =	vadd.s32 s24, v0  }
0x125: {  	v18 =	vadd.s32 s31, v0;
	v15 =	vld.idx.msk [tilespmem:v15+s29+$0x0], $0xffff;
	[tilespmem:s21+$0xE020] =	vst v6;
	v6 =	vcvt.s32.f32 v11  }
0x126: {  	v8 =	vld.idx.msk [tilespmem:v8+s29+$0x0], $0xffff;
	[tilespmem:s15+$0xE030] =	vst v7;
	v7 =	vcvt.s32.f32 v10;
	v10 =	vadd.s32 s26, v0  }
0x127: {  	v14 =	vld.idx.msk [tilespmem:v14+s29+$0x0], $0xffff;
	[tilespmem:s23+$0xE040] =	vst v6;
	v6 =	vcvt.s32.f32 v17;
	v17 =	vadd.s32 $0x50, v5  }
0x128: {  	v13 =	vld.idx.msk [tilespmem:v13+s29+$0x0], $0xffff;
	[tilespmem:s13+$0xE850] =	vst v7;
	v7 =	vcvt.s32.f32 v9  }
0x129: {  	v9 =	vld.idx.msk [tilespmem:v12+s29+$0x0], $0xffff;
	[tilespmem:s25+$0xE060] =	vst v6  }
0x12a: {  	v6 =	vadd.s32 s16, v0;
	v12 =	vld.idx.msk [tilespmem:v18+s29+$0x0], $0xffff;
	[tilespmem:s20+$0xE870] =	vst v7  }
0x12b: {  	[tilespmem:s5+$0xC000] =	vst v16;
	v7 =	vadd.s32 s3, v0;
	v10 =	vld.idx.msk [tilespmem:v10+s29+$0x0], $0xffff  }
0x12c: {  	v11 =	vadd.s32 s4, v0;
	v8 =	vcvt.s32.f32 v8;
	v16 =	vld.idx.msk [tilespmem:v17+s8+$0x0], $0xffff  }
0x12d: {  	v17 =	vld.idx.msk [tilespmem:v4+s8+$0x0], $0xffff;
	v14 =	vcvt.s32.f32 v14  }
0x12e: {  	v18 =	vld.idx.msk [tilespmem:v15+s8+$0x0], $0xffff;
	[tilespmem:s21+$0xE820] =	vst v8;
	v8 =	vcvt.s32.f32 v13;
	v13 =	vadd.s32 s30, v0  }
0x12f: {  	v6 =	vld.idx.msk [tilespmem:v6+s29+$0x0], $0xffff;
	[tilespmem:s15+$0xE830] =	vst v14  }
0x130: {  	v14 =	vadd.s32 $0x8, v15;
	v7 =	vld.idx.msk [tilespmem:v7+s29+$0x0], $0xffff;
	v12 =	vcvt.s32.f32 v12;
	[tilespmem:s23+$0xE840] =	vst v8  }
0x131: {  	v19 =	vadd.s32 $0x8, v4;
	v11 =	vld.idx.msk [tilespmem:v11+s29+$0x0], $0xffff  }
0x132: {  	v5 =	vadd.s32 $0x58, v5;
	v8 =	vld.idx.msk [tilespmem:v9+s8+$0x0], $0xffff;
	[tilespmem:s25+$0xE860] =	vst v12  }
0x133: {  	s2 =	rddreg [dreg:$0x18];
	[tilespmem:s5+$0xC800] =	vst v16;
	v13 =	vld.idx.msk [tilespmem:v13+s29+$0x0], $0xffff  }
0x134: {  	v16 =	vadd.s32 $0x8, v9;
	[tilespmem:s2+$0x5800] =	vst v18;
	v12 =	vld.idx.msk [tilespmem:v10+s8+$0x0], $0xffff  }
0x135: {  	[tilespmem:s9+$0x5800] =	vst v17;
	v14 =	vld.idx.msk [tilespmem:v14+s8+$0x0], $0xffff  }
0x136: {  	s6 =	sld [smem:$0x7F6];
	v17 =	vadd.s32 $0x8, v10;
	v18 =	vld.idx.msk [tilespmem:v19+s8+$0x0], $0xffff  }
0x137: {  	s14 =	sor.u32 $0x7, s4;
	s4 =	rddreg [dreg:$0x1b];
	v5 =	vld.idx.msk [tilespmem:v5+s8+$0x0], $0xffff  }
0x138: {  	v19 =	vld.idx.msk [tilespmem:v6+s8+$0x0], $0xffff;
	[tilespmem:s4+$0x5800] =	vst v8  }
0x139: {  	v8 =	vadd.s32 $0x10, v15;
	v15 =	vld.idx.msk [tilespmem:v16+s8+$0x0], $0xffff  }
0x13a: {  	v16 =	vadd.s32 $0x8, v6;
	v20 =	vld.idx.msk [tilespmem:v7+s8+$0x0], $0xffff;
	[tilespmem:s6+$0x5800] =	vst v12  }
0x13b: {  	v9 =	vadd.s32 $0x10, v9;
	[tilespmem:s18+$0x6010] =	vst v14;
	v12 =	vld.idx.msk [tilespmem:v17+s8+$0x0], $0xffff  }
0x13c: {  	v14 =	vadd.s32 $0x8, v7;
	[tilespmem:s9+$0x6000] =	vst v18;
	v17 =	vld.idx.msk [tilespmem:v11+s8+$0x0], $0xffff  }
0x13d: {  	s7 =	rddreg [dreg:$0x14];
	v10 =	vadd.s32 $0x10, v10;
	[tilespmem:s5+$0xD000] =	vst v5;
	v5 =	vadd.s32 $0x10, v7;
	v7 =	vld.idx.msk [tilespmem:v13+s8+$0x0], $0xffff  }
0x13e: {  	s10 =	rddreg [dreg:$0x1e];
	v18 =	vadd.s32 $0x8, v11;
	v8 =	vld.idx.msk [tilespmem:v8+s8+$0x0], $0xffff;
	[tilespmem:s7+$0x5800] =	vst v19  }
0x13f: {  	s11 =	rddreg [dreg:$0x15];
	v16 =	vld.idx.msk [tilespmem:v16+s8+$0x0], $0xffff;
	[tilespmem:s13+$0x6050] =	vst v15;
	v15 =	vadd.s32 s10, v0  }
0x140: {  	s16 =	rddreg [dreg:$0x10];
	v6 =	vadd.s32 $0x10, v6;
	[tilespmem:s11+$0x5800] =	vst v20;
	v9 =	vld.idx.msk [tilespmem:v9+s8+$0x0], $0xffff  }
0x141: {  	s17 =	rddreg [dreg:$0x13];
	v14 =	vld.idx.msk [tilespmem:v14+s8+$0x0], $0xffff;
	[tilespmem:s20+$0x6070] =	vst v12;
	v12 =	vadd.s32 s16, v0  }
0x142: {  	s22 =	rddreg [dreg:$0x1d];
	[tilespmem:s17+$0x5800] =	vst v17;
	v10 =	vld.idx.msk [tilespmem:v10+s8+$0x0], $0xffff  }
0x143: {  	v17 =	vadd.s32 s22, v0;
	[tilespmem:s18+$0x6810] =	vst v8;
	v8 =	vld.idx.msk [tilespmem:v18+s8+$0x0], $0xffff  }
0x144: {  	v15 =	vld.idx.msk [tilespmem:v15+s29+$0x0], $0xffff;
	[tilespmem:s21+$0x6020] =	vst v16;
	v16 =	vadd.s32 $0x8, v13  }
0x145: {  	s24 =	rddreg [dreg:$0x19];
	v4 =	vadd.s32 $0x10, v4;
	v6 =	vld.idx.msk [tilespmem:v6+s8+$0x0], $0xffff;
	[tilespmem:s13+$0x6850] =	vst v9  }
0x146: {  	s26 =	rddreg [dreg:$0x1c];
	v11 =	vadd.s32 $0x10, v11;
	[tilespmem:s15+$0x6030] =	vst v14;
	v9 =	vld.idx.msk [tilespmem:v12+s29+$0x0], $0xffff  }
0x147: {  	s30 =	rddreg [dreg:$0x1a];
	v12 =	vadd.s32 s24, v0;
	v5 =	vld.idx.msk [tilespmem:v5+s8+$0x0], $0xffff;
	[tilespmem:s20+$0x6870] =	vst v10  }
0x148: {  	[tilespmem:s26+$0x5800] =	vst v7;
	v10 =	vadd.s32 s30, v0;
	v7 =	vld.idx.msk [tilespmem:v17+s29+$0x0], $0xffff  }
0x149: {  	[tilespmem:s23+$0x6040] =	vst v8;
	v8 =	vld.idx.msk [tilespmem:v16+s8+$0x0], $0xffff;
	v14 =	vadd.s32 $0x18, v15  }
0x14a: {  	v4 =	vld.idx.msk [tilespmem:v4+s8+$0x0], $0xffff;
	[tilespmem:s21+$0x6820] =	vst v6;
	v6 =	vadd.s32 $0x10, v13  }
0x14b: {  	s31 =	rddreg [dreg:$0x17];
	v11 =	vld.idx.msk [tilespmem:v11+s8+$0x0], $0xffff;
	v13 =	vadd.s32 $0x18, v9  }
0x14c: {  	v12 =	vld.idx.msk [tilespmem:v12+s29+$0x0], $0xffff;
	[tilespmem:s15+$0x6830] =	vst v5;
	v5 =	vadd.s32 s31, v0  }
0x14d: {  	v10 =	vld.idx.msk [tilespmem:v10+s29+$0x0], $0xffff  }
0x14e: {  	s28 =	smov.u32 s9;
	s2 =	rddreg [dreg:$0x16];
	v16 =	vadd.s32 $0x18, v7;
	v14 =	vld.idx.msk [tilespmem:v14+s8+$0x0], $0xffff;
	[tilespmem:s25+$0x6060] =	vst v8  }
0x14f: {  	[tilespmem:s28+$0x6800] =	vst v4;
	v17 =	vadd.s32 s2, v0;
	v6 =	vld.idx.msk [tilespmem:v6+s8+$0x0], $0xffff  }
0x150: {  	v4 =	vadd.s32 $0x20, v15;
	[tilespmem:s23+$0x6840] =	vst v11;
	v8 =	vld.idx.msk [tilespmem:v13+s8+$0x0], $0xffff  }
0x151: {  	v11 =	vadd.s32 $0x18, v12;
	v5 =	vld.idx.msk [tilespmem:v5+s29+$0x0], $0xffff  }
0x152: {  	v13 =	vadd.s32 $0x20, v9  }
0x153: {  	v18 =	vadd.s32 $0x18, v10;
	v16 =	vld.idx.msk [tilespmem:v16+s8+$0x0], $0xffff  }
0x154: {  	s3 =	rddreg [dreg:$0x12];
	v17 =	vld.idx.msk [tilespmem:v17+s29+$0x0], $0xffff;
	[tilespmem:s18+$0x7010] =	vst v14;
	v14 =	vadd.s32 $0x20, v7  }
0x155: {  	v4 =	vld.idx.msk [tilespmem:v4+s8+$0x0], $0xffff;
	[tilespmem:s25+$0x6860] =	vst v6;
	v6 =	vadd.s32 s3, v0  }
0x156: {  	v11 =	vld.idx.msk [tilespmem:v11+s8+$0x0], $0xffff;
	[tilespmem:s13+$0x7050] =	vst v8;
	v8 =	vadd.s32 $0x18, v5  }
0x157: {  	v19 =	vadd.s32 $0x20, v12;
	v13 =	vld.idx.msk [tilespmem:v13+s8+$0x0], $0xffff  }
0x158: {  	v9 =	vadd.s32 $0x28, v9;
	v18 =	vld.idx.msk [tilespmem:v18+s8+$0x0], $0xffff;
	[tilespmem:s20+$0x7070] =	vst v16  }
0x159: {  	v16 =	vadd.s32 $0x20, v10;
	v14 =	vld.idx.msk [tilespmem:v14+s8+$0x0], $0xffff  }
0x15a: {  	v6 =	vld.idx.msk [tilespmem:v6+s29+$0x0], $0xffff;
	[tilespmem:s18+$0x7810] =	vst v4;
	v4 =	vadd.s32 $0x28, v7  }
0x15b: {  	v7 =	vadd.s32 $0x28, v15;
	[tilespmem:s21+$0x7020] =	vst v11;
	v8 =	vld.idx.msk [tilespmem:v8+s8+$0x0], $0xffff  }
0x15c: {  	v11 =	vadd.s32 $0x18, v17;
	v15 =	vld.idx.msk [tilespmem:v19+s8+$0x0], $0xffff;
	[tilespmem:s13+$0x7850] =	vst v13  }
0x15d: {  	[tilespmem:s15+$0x7030] =	vst v18;
	v13 =	vadd.s32 $0x20, v5;
	v9 =	vld.idx.msk [tilespmem:v9+s8+$0x0], $0xffff  }
0x15e: {  	s4 =	rddreg [dreg:$0xf];
	v12 =	vadd.s32 $0x28, v12;
	v16 =	vld.idx.msk [tilespmem:v16+s8+$0x0], $0xffff;
	[tilespmem:s20+$0x7870] =	vst v14  }
0x15f: {  	v14 =	vadd.s32 s4, v0;
	v4 =	vld.idx.msk [tilespmem:v4+s8+$0x0], $0xffff  }
0x160: {  	s5 =	rddreg [dreg:$0xe];
	v10 =	vadd.s32 $0x28, v10;
	v7 =	vld.idx.msk [tilespmem:v7+s8+$0x0], $0xffff  }
0x161: {  	v11 =	vld.idx.msk [tilespmem:v11+s8+$0x0], $0xffff;
	[tilespmem:s23+$0x7040] =	vst v8;
	v8 =	vadd.s32 s5, v0  }
0x162: {  	s6 =	rddreg [dreg:$0xd];
	[tilespmem:s21+$0x7820] =	vst v15;
	v13 =	vld.idx.msk [tilespmem:v13+s8+$0x0], $0xffff;
	v15 =	vadd.s32 $0x18, v6  }
0x163: {  	v18 =	vadd.s32 s6, v0;
	v12 =	vld.idx.msk [tilespmem:v12+s8+$0x0], $0xffff;
	[tilespmem:s13+$0x8050] =	vst v9  }
0x164: {  	s7 =	rddreg [dreg:$0xc];
	v5 =	vadd.s32 $0x28, v5;
	[tilespmem:s15+$0x7830] =	vst v16;
	v9 =	vld.idx.msk [tilespmem:v14+s29+$0x0], $0xffff  }
0x165: {  	v14 =	vadd.s32 s7, v0;
	v10 =	vld.idx.msk [tilespmem:v10+s8+$0x0], $0xffff;
	[tilespmem:s20+$0x8070] =	vst v4  }
0x166: {  	[tilespmem:s18+$0x8010] =	vst v7;
	v7 =	vld.idx.msk [tilespmem:v8+s29+$0x0], $0xffff  }
0x167: {  	s9 =	rddreg [dreg:$0xb];
	v4 =	vadd.s32 $0x20, v17;
	[tilespmem:s28+$0x7000] =	vst v11;
	v11 =	vld.idx.msk [tilespmem:v15+s8+$0x0], $0xffff  }
0x168: {  	v8 =	vadd.s32 s9, v0;
	v15 =	vld.idx.msk [tilespmem:v18+s29+$0x0], $0xffff;
	[tilespmem:s23+$0x7840] =	vst v13  }
0x169: {  	[tilespmem:s21+$0x8020] =	vst v12;
	v5 =	vld.idx.msk [tilespmem:v5+s8+$0x0], $0xffff;
	v12 =	vadd.s32 $0x20, v6  }
0x16a: {  	s10 =	rddreg [dreg:$0xa];
	v13 =	vld.idx.msk [tilespmem:v14+s29+$0x0], $0xffff;
	v14 =	vadd.s32 $0x30, v9  }
0x16b: {  	[tilespmem:s15+$0x8030] =	vst v10;
	v10 =	vadd.s32 s10, v0  }
0x16c: {  	v4 =	vld.idx.msk [tilespmem:v4+s8+$0x0], $0xffff;
	v16 =	vadd.s32 $0x30, v7  }
0x16d: {  	v17 =	vadd.s32 $0x28, v17;
	v8 =	vld.idx.msk [tilespmem:v8+s29+$0x0], $0xffff;
	[tilespmem:s25+$0x7060] =	vst v11  }
0x16e: {  	v11 =	vadd.s32 $0x30, v15;
	v12 =	vld.idx.msk [tilespmem:v12+s8+$0x0], $0xffff  }
0x16f: {  	[tilespmem:s23+$0x8040] =	vst v5;
	v5 =	vld.idx.msk [tilespmem:v14+s8+$0x0], $0xffff;
	v14 =	vadd.s32 $0x30, v13  }
0x170: {  	v6 =	vadd.s32 $0x28, v6;
	v10 =	vld.idx.msk [tilespmem:v10+s29+$0x0], $0xffff  }
0x171: {  	[tilespmem:s28+$0x7800] =	vst v4;
	v4 =	vadd.s32 $0x38, v9;
	v16 =	vld.idx.msk [tilespmem:v16+s8+$0x0], $0xffff  }
0x172: {  	v17 =	vld.idx.msk [tilespmem:v17+s8+$0x0], $0xffff;
	v18 =	vadd.s32 $0x30, v8  }
0x173: {  	v19 =	vadd.s32 $0x38, v7;
	v11 =	vld.idx.msk [tilespmem:v11+s8+$0x0], $0xffff  }
0x174: {  	[tilespmem:s25+$0x7860] =	vst v12;
	v12 =	vadd.s32 $0x38, v15;
	v14 =	vld.idx.msk [tilespmem:v14+s8+$0x0], $0xffff  }
0x175: {  	[tilespmem:s13+$0xA850] =	vst v5;
	v5 =	vadd.s32 $0x30, v10;
	v6 =	vld.idx.msk [tilespmem:v6+s8+$0x0], $0xffff  }
0x176: {  	v20 =	vadd.s32 $0x38, v13;
	v4 =	vld.idx.msk [tilespmem:v4+s8+$0x0], $0xffff;
	[tilespmem:s20+$0xA870] =	vst v16  }
0x177: {  	v9 =	vadd.s32 $0x40, v9;
	v18 =	vld.idx.msk [tilespmem:v18+s8+$0x0], $0xffff;
	[tilespmem:s28+$0x8000] =	vst v17  }
0x178: {  	v16 =	vld.idx.msk [tilespmem:v19+s8+$0x0], $0xffff;
	[tilespmem:s18+$0xA810] =	vst v11;
	v11 =	vadd.s32 $0x38, v8  }
0x179: {  	s11 =	rddreg [dreg:$0x9];
	v7 =	vadd.s32 $0x40, v7;
	v12 =	vld.idx.msk [tilespmem:v12+s8+$0x0], $0xffff;
	[tilespmem:s21+$0xA820] =	vst v14  }
0x17a: {  	v5 =	vld.idx.msk [tilespmem:v5+s8+$0x0], $0xffff;
	v14 =	vadd.s32 s11, v0;
	[tilespmem:s25+$0x8060] =	vst v6  }
0x17b: {  	v17 =	vld.idx.msk [tilespmem:v20+s8+$0x0], $0xffff;
	[tilespmem:s13+$0xB050] =	vst v4;
	v4 =	vadd.s32 $0x48, v2  }
0x17c: {  	[tilespmem:s15+$0xA830] =	vst v18;
	v18 =	vadd.s32 $0x38, v10;
	v9 =	vld.idx.msk [tilespmem:v9+s8+$0x0], $0xffff  }
0x17d: {  	s16 =	rddreg [dreg:$0x7];
	v13 =	vadd.s32 $0x40, v13;
	v11 =	vld.idx.msk [tilespmem:v11+s8+$0x0], $0xffff;
	[tilespmem:s20+$0xB070] =	vst v16  }
0x17e: {  	v16 =	vadd.s32 s16, v0;
	v6 =	vld.idx.msk [tilespmem:v7+s8+$0x0], $0xffff;
	[tilespmem:s18+$0xB010] =	vst v12  }
0x17f: {  	v7 =	vadd.s32 $0x40, v8;
	v12 =	vld.idx.msk [tilespmem:v14+s29+$0x0], $0xffff;
	[tilespmem:s23+$0xA840] =	vst v5  }
0x180: {  	s17 =	rddreg [dreg:$0x8];
	v8 =	vadd.s32 $0x40, v15;
	v4 =	vld.idx.msk [tilespmem:v4+s8+$0x0], $0xffff  }
0x181: {  	v5 =	vadd.s32 s17, v0;
	[tilespmem:s21+$0xB020] =	vst v17;
	v14 =	vld.idx.msk [tilespmem:v18+s8+$0x0], $0xffff  }
0x182: {  	v13 =	vld.idx.msk [tilespmem:v13+s8+$0x0], $0xffff;
	[tilespmem:s13+$0xB850] =	vst v9;
	v9 =	vadd.s32 $0x50, v2  }
0x183: {  	s22 =	rddreg [dreg:$0x6];
	v10 =	vadd.s32 $0x40, v10;
	[tilespmem:s15+$0xB030] =	vst v11;
	v11 =	vld.idx.msk [tilespmem:v16+s29+$0x0], $0xffff  }
0x184: {  	s26 =	rddreg [dreg:$0x3];
	v15 =	vadd.s32 s22, v0;
	v16 =	vld.idx.msk [tilespmem:v7+s8+$0x0], $0xffff;
	[tilespmem:s20+$0xB870] =	vst v6  }
0x185: {  	s24 =	rddreg [dreg:$0x4];
	v17 =	vld.idx.msk [tilespmem:v8+s8+$0x0], $0xffff;
	v6 =	vadd.s32 $0x30, v12;
	[tilespmem:s26+$0xC040] =	vst v4  }
0x186: {  	s30 =	rddreg [dreg:$0x5];
	v19 =	vld.idx.msk [tilespmem:v5+s29+$0x0], $0xffff;
	v5 =	vadd.s32 s24, v0;
	[tilespmem:s23+$0xB040] =	vst v14  }
0x187: {  	s31 =	rddreg [dreg:$0x11];
	v4 =	vadd.s32 s30, v0;
	v9 =	vld.idx.msk [tilespmem:v9+s8+$0x0], $0xffff  }
0x188: {  	v14 =	vadd.s32 s31, v0;
	[tilespmem:s21+$0xB820] =	vst v13;
	v10 =	vld.idx.msk [tilespmem:v10+s8+$0x0], $0xffff  }
0x189: {  	v7 =	vld.idx.msk [tilespmem:v15+s29+$0x0], $0xffff;
	v13 =	vadd.s32 $0x48, v11  }
0x18a: {  	v15 =	vadd.s32 s14, v0;
	[tilespmem:s15+$0xB830] =	vst v16;
	v16 =	vld.idx.msk [tilespmem:v6+s8+$0x0], $0xffff  }
0x18b: {  	v8 =	vld.idx.msk [tilespmem:v5+s29+$0x0], $0xffff;
	v18 =	vadd.s32 $0x48, v19  }
0x18c: {  	[tilespmem:s18+$0xB810] =	vst v17;
	v5 =	vld.idx.msk [tilespmem:v4+s29+$0x0], $0xffff;
	v4 =	vadd.s32 $0x38, v12  }
0x18d: {  	v6 =	vld.idx.msk [tilespmem:v14+s29+$0x0], $0xffff;
	[tilespmem:s26+$0xC840] =	vst v9;
	v9 =	vadd.s32 $0x58, v2  }
0x18e: {  	[tilespmem:s23+$0xB840] =	vst v10;
	v10 =	vld.idx.msk [tilespmem:v13+s8+$0x0], $0xffff;
	v13 =	vadd.s32 $0x48, v7  }
0x18f: {  	v2 =	vld.idx.msk [tilespmem:v15+s29+$0x0], $0xffff;
	v15 =	vadd.s32 $0x50, v11  }
0x190: {  	[tilespmem:s25+$0xA860] =	vst v16;
	v16 =	vld.idx.msk [tilespmem:v18+s8+$0x0], $0xffff;
	v20 =	vadd.s32 $0x48, v8  }
0x191: {  	v22 =	vadd.s32 $0x50, v19;
	v21 =	vld.idx.msk [tilespmem:v4+s8+$0x0], $0xffff  }
0x192: {  	v24 =	vadd.s32 $0x40, v12;
	v23 =	vld.idx.msk [tilespmem:v9+s8+$0x0], $0xffff  }
0x193: {  	v25 =	vadd.s32 $0x48, v6;
	v14 =	vld.idx.msk [tilespmem:v13+s8+$0x0], $0xffff;
	[tilespmem:s13+$0xC050] =	vst v10  }
.Ltmp0:
0x194: {  	v13 =	vld.idx.msk [tilespmem:v15+s8+$0x0], $0xffff;
	(pc) =	sbr.rel @p0 .LBB2_3-.Ltmp0, $4  }
0x195: {  	v4 =	vld.idx.msk [tilespmem:v20+s8+$0x0], $0xffff;
	[tilespmem:s20+$0xC070] =	vst v16  }
0x196: {  	[tilespmem:s25+$0xB060] =	vst v21;
	v9 =	vld.idx.msk [tilespmem:v22+s8+$0x0], $0xffff  }
0x197: {  	v17 =	vadd.s32 $0x50, v7;
	v12 =	vadd.s32 $0x50, v8;
	v15 =	vld.idx.msk [tilespmem:v24+s8+$0x0], $0xffff  }
0x198: {  	s19 =	smov.u32 s20;
	s22 =	smov.u32 s12;
	v18 =	vadd.s32 $0x30, v5;
	v16 =	vadd.s32 $0x58, v11;
	v11 =	vadd.s32 $0x58, v19;
	v10 =	vld.idx.msk [tilespmem:v25+s8+$0x0], $0xffff;
	[tilespmem:s26+$0xD040] =	vst v23;
	s26 =	smov.u32 s23  }
0x199: {  	_ =	sdelay $0x3  }
0x19a: {  	v18 =	vld.idx.msk [tilespmem:v18+s8+$0x0], $0xffff  }
0x19b: {  	v19 =	vadd.s32 $0x38, v5;
	_ =	sdelay $0x3  }
0x19c: {  	[tilespmem:s28+$0xA800] =	vst v18  }
0x19d: {  	v18 =	vld.idx.msk [tilespmem:v19+s8+$0x0], $0xffff  }
0x19e: {  	v49 =	vadd.s32 $0x40, v5;
	_ =	sdelay $0x3  }
0x19f: {  	[tilespmem:s28+$0xB000] =	vst v18  }
0x1a0: {  	v5 =	vld.idx.msk [tilespmem:v49+s8+$0x0], $0xffff  }
0x1a1: {  	v50 =	vadd.s32 s1, v0;
	_ =	sdelay $0x1  }
0x1a2: {  	[tilespmem:s25+$0xB860] =	vst v15  }
0x1a3: {  	v3 =	vld.idx.msk [tilespmem:v3+s29+$0x0], $0xffff  }
0x1a4: {  	[tilespmem:s28+$0xB800] =	vst v5  }
0x1a5: {  	v5 =	vld.idx.msk [tilespmem:v50+s29+$0x0], $0xffff;
	_ =	sdelay $0x2  }
0x1a6: {  	v51 =	vadd.s32 $0x48, v3  }
0x1a7: {  	v52 =	vadd.s32 $0x48, v2  }
0x1a8: {  	[tilespmem:s21+$0xC020] =	vst v14;
	v18 =	vadd.s32 $0x48, v5  }
0x1a9: {  	[tilespmem:s13+$0xC850] =	vst v13;
	v17 =	vld.idx.msk [tilespmem:v17+s8+$0x0], $0xffff  }
0x1aa: {  	v13 =	vld.idx.msk [tilespmem:v16+s8+$0x0], $0xffff  }
0x1ab: {  	v53 =	vadd.s32 $0x50, v6;
	[tilespmem:s15+$0xC030] =	vst v4;
	v54 =	vld.idx.msk [tilespmem:v51+s8+$0x0], $0xffff  }
0x1ac: {  	[tilespmem:s19+$0xC870] =	vst v9;
	v14 =	vld.idx.msk [tilespmem:v52+s8+$0x0], $0xffff;
	v55 =	vadd.s32 $0x50, v3  }
0x1ad: {  	v58 =	vadd.s32 $0x50, v2;
	[tilespmem:s18+$0xC010] =	vst v10;
	v56 =	vld.idx.msk [tilespmem:v18+s8+$0x0], $0xffff  }
0x1ae: {  	v12 =	vld.idx.msk [tilespmem:v12+s8+$0x0], $0xffff;
	[tilespmem:s21+$0xC820] =	vst v17;
	v57 =	vadd.s32 $0x50, v5  }
0x1af: {  	v7 =	vadd.s32 $0x58, v7;
	v11 =	vld.idx.msk [tilespmem:v11+s8+$0x0], $0xffff;
	[tilespmem:s13+$0xD050] =	vst v13  }
0x1b0: {  	v8 =	vadd.s32 $0x58, v8;
	v59 =	vld.idx.msk [tilespmem:v53+s8+$0x0], $0xffff;
	[tilespmem:s25+$0xC060] =	vst v54  }
0x1b1: {  	v60 =	vadd.s32 $0x58, v6;
	[tilespmem:s26+$0xC040] =	vst v14;
	v61 =	vld.idx.msk [tilespmem:v55+s8+$0x0], $0xffff  }
0x1b2: {  	v3 =	vadd.s32 $0x58, v3;
	v63 =	vld.idx.msk [tilespmem:v58+s8+$0x0], $0xffff;
	[tilespmem:s28+$0xC000] =	vst v56  }
0x1b3: {  	v2 =	vadd.s32 $0x58, v2;
	[tilespmem:s15+$0xC830] =	vst v12;
	v62 =	vld.idx.msk [tilespmem:v57+s8+$0x0], $0xffff  }
0x1b4: {  	v7 =	vld.idx.msk [tilespmem:v7+s8+$0x0], $0xffff;
	[tilespmem:s19+$0xD070] =	vst v11;
	v5 =	vadd.s32 $0x58, v5  }
0x1b5: {  	v8 =	vld.idx.msk [tilespmem:v8+s8+$0x0], $0xffff;
	[tilespmem:s18+$0xC810] =	vst v59  }
0x1b6: {  	v4 =	vld.idx.msk [tilespmem:v60+s8+$0x0], $0xffff;
	[tilespmem:s25+$0xC860] =	vst v61  }
0x1b7: {  	[tilespmem:s26+$0xC840] =	vst v63;
	v3 =	vld.idx.msk [tilespmem:v3+s8+$0x0], $0xffff  }
0x1b8: {  	v2 =	vld.idx.msk [tilespmem:v2+s8+$0x0], $0xffff;
	[tilespmem:s28+$0xC800] =	vst v62  }
0x1b9: {  	[tilespmem:s21+$0xD020] =	vst v7;
	v5 =	vld.idx.msk [tilespmem:v5+s8+$0x0], $0xffff  }
0x1ba: {  	[tilespmem:s15+$0xD030] =	vst v8  }
0x1bb: {  	[tilespmem:s18+$0xD010] =	vst v4  }
0x1bc: {  	[tilespmem:s25+$0xD060] =	vst v3  }
0x1bd: {  	s0 =	sld [smem:$0x7F8];
	[tilespmem:s26+$0xD040] =	vst v2  }
0x1be: {  	[tilespmem:s28+$0xD000] =	vst v5  }
0x1bf: {  	s28 =	sld [smem:$0x7FB]  }
0x1c0: {  	s0 =	smul.u32 $0x1800, s0;
	_ =	sdelay $0x1  }
0x1c1: {  	s30 =	simm.s32 $0x5800;
	s3 =	simm.s32 $0x1;
	s0 =	sadd.s32 s28, s0  }
0x1c2: {  	[hbm4b:s0+s29] =	stream.linear.scatter [tilespmem:s30], [sflag:$0x1], $0xC000, $0x38;
	[tilespmem:$0x11880] =	vst v63  }
0x1c3: {  	_ =	swait.ge [sflag:s3], $0xC000  }
0x1c4: {  	s31 =	sld [smem:$0x7F7];
	_ =	sdelay $0x2  }
0x1c5: {  	s1 =	sadd.s32 $0x1, s31  }
0x1c6: {  	p0 =	sne.s32 s1, $0x32  }
.Ltmp1:
0x1c7: {  	_ = 	snop;
	(pc) =	sbr.rel @p0 .LBB2_2-.Ltmp1, $3  }
0x1c8: {  	_ =	sdelay $0x1  }
0x1c9: {  	[sflag:s3] =	ssyncset.done $0x0  }
0x1ca: {  	[sflag:s3] =	ssyncadd.s32 $0xFFFF4000  }
0x1cb: {  	s1 =	sld [smem:$0x7F9]  }
0x1cc: {  	s0 =	sld [smem:$0x7FD];
	_ =	sdelay $0x1  }
0x1cd: {  	s1 =	sadd.s32 $0x1, s1  }
0x1ce: {  	p0 =	sne.s32 s1, s0  }
.Ltmp2:
0x1cf: {  	_ = 	snop;
	(pc) =	sbr.rel @p0 .LBB2_1-.Ltmp2, $1  }
0x1d0: {  	_ =	sdelay $0x3  }
0x1d1: {  	_ =	sfence.sel $0x180000  }
0x1d2: {  	[bflag:$0x0] =	sbarrier.arrive $0xFFFF  }
0x1d3: {  	_ =	strace $0x90000047  }
0x1d4: {  	s0 =	stileid.u32;
	[bflag:$0x2] =	sbarrier.arrive $0xFFFF  }
0x1d5: {  	p0 =	sne.s32 s0, $0x0;
	s0 =	rddreg [dreg:$0x2]  }
0x1d6: {  	s0 =	sadd.s32 @!p0 $0x100000, s0  }
0x1d7: {  	[sflag:s0] =	ssyncadd.tile.s32 @!p0 $0x1;
	_ =	shalt  }
.Lfunc_end2:
_tile_overlayer_lowered:
.L_overlay_start_2:
0x1d8: {  	(tag) =	ssettag $0x2  }
0x1d9: {  	s0 =	rddreg [dreg:$0x0];
	s2 =	stileid.u32  }
0x1da: {  	s1 =	rddreg [dreg:$0x1];
	p0 =	sne.s32 s2, $0x0  }
0x1db: {  	s3 =	rddreg [dreg:$0x2];
	[bflag:$0x3] =	sbarrier.arrive $0xFFFF;
	s2 =	simm.s32 @!p0 $0x1C01  }
0x1dc: {  	[timem:s3], [sflag:s2] =	dma.local @!p0 [hbm:s0], s1  }
0x1dd: {  	s0 =	simm.s32 @!p0 $0x1  }
0x1de: {  	_ =	swait.ge @!p0 [sflag:s0], s1  }
0x1df: {  	s1 =	ssub.s32 @!p0 $0x0, s1;
	[sflag:s0] =	ssyncset.done @!p0 $0x0  }
0x1e0: {  	[sflag:s0] =	ssyncadd.s32 @!p0 s1  }
0x1e1: {  	[bflag:$0x3] =	sbarrier.arrive $0xFFFF  }
0x1e2: {  	_ =	shalt  }

// kernel: sparse-core-data-format-call.cloned.1.call-start
scs
called_computation_lowered:
.L_overlay_start_0:
0x0: {  	s2 =	sld [smem:$0x3FD9]  }
0x1: {  	s3 =	sld [smem:$0x3FFE];
	_ =	sdelay $0x1  }
0x2: {  	s1 =	srdreg.scid  }
0x3: {  	s0 =	sand.u32 $0x1, s1  }
0x4: {  	s18 =	sshll.u32 s0, $0xA;
	s2 =	sadd.s32 s3, s2  }
0x5: {  	s2 =	sadd.s32 s2, s18  }
0x6: {  	[smem:$0x3FC3] =	sst s2  }
0x7: {  	_ = 	snop  }
0x8: {  	s2 =	sld [smem:$0x3FD0];
	(tm) =	ssettm $0x1  }
0x9: {  	s19 =	sld [smem:$0x3FFB];
	_ =	sdelay $0x3  }
0xa: {  	_ =	strace s19  }
0xb: {  	s3 =	sld [smem:$0x3FFC];
	_ =	sdelay $0x3  }
0xc: {  	_ =	strace s3  }
0xd: {  	s3 =	sld [smem:$0x3FFD];
	_ =	sdelay $0x3  }
0xe: {  	_ =	strace s3  }
0xf: {  	_ =	strace $0x8FFFFFFF  }
0x10: {  	s20 =	sld [smem:$0x3FDB];
	_ =	sdelay $0x1  }
0x11: {  	s4 =	simm.s32 $_scs_section_size  }
0x12: {  	s5 =	simm.s32 $_size__tile_overlayer_lowered;
	s6 =	simm.s32 $_tile_overlayer_lowered  }
0x13: {  	s23 =	simm.s32 $0x1BFF;
	s22 =	sshll.u32 s6, $0x1;
	s3 =	sadd.s32 s4, s20  }
0x14: {  	s7 =	simm.s32 $0x0;
	s21 =	sshll.u32 s5, $0x1;
	s5 =	sadd.s32 s22, s3  }
0x15: {  	[timem:s7], [sflag:s23] =	dma.local [hbm:s5], s21  }
0x16: {  	_ =	swait.ge [sflag:s23], s21  }
0x17: {  	s4 =	ssub.s32 $0x0, s21;
	[sflag:s23] =	ssyncset.done $0x0  }
0x18: {  	[sflag:s23] =	ssyncadd.s32 s4;
	_ =	sdelay $0x1  }
0x19: {  	s24 =	simm.s32 $0x1B8B  }
0x1a: {  	_ =	swait.ge [sflag:s24], $0x1  }
0x1b: {  	[sflag:s24] =	ssyncset.done $0x0  }
0x1c: {  	s26 =	simm.s32 $0x1B8E;
	s25 =	sld [smem:$0x3FFE];
	[sflag:s24] =	ssyncadd.s32 $0xFFFFFFFF  }
0x1d: {  	s27 =	simm.s32 $execute0_lowered;
	[smem:$0x3FD2] =	sst s26  }
0x1e: {  	s5 =	sshll.u32 s27, $0x1;
	_ =	strace $0x80000049;
	[dreg:$0x1] =	wrdreg $0xFFFFFFFF  }
0x1f: {  	s28 =	simm.s32 $_size_execute0_lowered;
	s3 =	sadd.s32 s3, s5;
	[dreg:$0x0] =	wrdreg $0x0  }
0x20: {  	s5 =	sshll.u32 s28, $0x1;
	[dreg:$0x2] =	wrdreg s3  }
0x21: {  	[dreg:$0x3] =	wrdreg s5  }
0x22: {  	[dreg:$0x4] =	wrdreg $0xC0  }
0x23: {  	_ =	task [dreg:s7], $0x5FFFF  }
0x24: {  	[dreg:$0x1] =	wrdreg $0xFFFFFFFF  }
0x25: {  	[dreg:$0x0] =	wrdreg $0x60  }
0x26: {  	[dreg:$0x2] =	wrdreg s25  }
0x27: {  	[dreg:$0x3] =	wrdreg s2  }
0x28: {  	[dreg:$0x4] =	wrdreg $0x9  }
0x29: {  	_ =	task.clear_ibuf [dreg:s7], $0x5FFFF;
	_ =	strace $0x90000049  }
0x2a: {  	s29 =	simm.s32 $0x9;
	_ =	strace $0x8000004B  }
0x2b: {  	_ =	swait.ge [sflag:s29], $0x1  }
0x2c: {  	[sflag:s29] =	ssyncadd.s32 $0xFFFFFFFF  }
0x2d: {  	_ =	strace $0x9000004B  }
0x2e: {  	_ =	sfence  }
0x2f: {  	s30 =	sld [smem:$0x0];
	_ =	sdelay $0x2  }
0x30: {  	s31 =	sshll.u32 s1, $0xD;
	s1 =	sshrl.u32 s1, $0x2  }
0x31: {  	s3 =	sand.u32 $0x4000, s31;
	s1 =	sadd.s32 s1, s30  }
0x32: {  	s0 =	sor.u32 s3, s0;
	s1 =	sshll.u32 s1, $0x11  }
0x33: {  	s0 =	sor.u32 s1, s0  }
0x34: {  	s0 =	sadd.s32 $0x8F2B, s0  }
0x35: {  	[sflag:s0] =	ssyncadd.remote.s32 $0x1  }
0x36: {  	_ =	sfence.sel $0xFFFF  }
0x37: {  	[dreg:$0x0] =	wrdreg $0xFFFFFFFF;
	(pc) =	sbr.abs _section_cstart, $3  }
0x38: {  	[dreg:$0x1] =	wrdreg $0xFFFFFFFF  }
0x39: {  	_ =	task.clear_ibuf [dreg:s7], $0x2FFFF;
	_ =	strace $0x9FFFFFFF  }
0x3a: {  	(tm) =	ssettm $0x7FFFFFFF  }
0x3b: {  	_ =	shalt  }
tec
execute0_lowered:
.L_overlay_start_1:
0x0: {  	(tag) =	ssettag $0x1  }
0x1: {  	s0 =	srdreg.scid;
	s6 =	rddreg [dreg:$0x0]  }
0x2: {  	s3 =	rddreg [dreg:$0x1];
	s1 =	sshll.u32 s0, $0x4  }
0x3: {  	s5 =	simm.s32 $0x1;
	s0 =	stileid.u32;
	s1 =	sand.u32 $0x10, s1  }
0x4: {  	s31 =	simm.s32 $0x2;
	s18 =	simm.s32 $0x0;
	s1 =	sor.u32 s0, s1  }
0x5: {  	s8 =	simm.s32 $0x320000;
	s17 =	simm.s32 $0x0;
	s2 =	sshll.u32 s1, $0x7  }
0x6: {  	s16 =	simm.s32 $0x0;
	s9 =	simm.s32 $0x0;
	s4 =	ssub.s32 $0x4000, s2  }
0x7: {  	s10 =	simm.s32 $0x0;
	s11 =	simm.s32 $0x0;
	s30 =	sand.u32 $0xF80, s4  }
0x8: {  	s12 =	simm.s32 $0x0;
	s13 =	simm.s32 $0x0;
	p0 =	sne.s32 s30, $0x0  }
.Ltmp0:
0x9: {  	s7 =	sshrl.u32 s4, $0xC;
	s5 =	simm.s32 @!p0 $0x0;
	(pc) =	sbr.rel .LBB1_1-.Ltmp0, $4  }
0xa: {  	s15 =	simm.s32 $0x0;
	s1 =	rddreg [dreg:$0x2];
	s5 =	sadd.s32 s5, s7  }
0xb: {  	_ =	strace $0x8000004A;
	s4 =	simm.s32 $0x1;
	s5 =	smul.u32 $0x258, s5  }
0xc: {  	s6 =	sadd.s32 $0x960C00, s6;
	s14 =	smov.u32 s2;
	[sflag:s4] =	ssyncpa.u1 $0x0  }
0xd: {  	[sflag:s31] =	ssyncpa.u1 $0x0;
	p0 =	por $0x0, $0x0;
	s7 =	sor.u32 $0x1, s5  }
.LBB1_4:
0xe: {  	s21 =	sshll.u32 s10, $0xE;
	s22 =	sshll.u32 s11, $0x3;
	p1 =	sgt.s32 s10, $0xC7  }
0xf: {  	s24 =	smov.u32 s10;
	s25 =	sshra.s32 s10, $0x1F;
	s26 =	smov.u32 s9  }
0x10: {  	s27 =	sshra.s32 s11, $0x1F;
	s30 =	sshra.s32 s9, $0x1F;
	s21 =	sand.u32 $0xFFFE0000, s21  }
0x11: {  	s23 =	sand.u32 $0xFFFFFC00, s22;
	s24 =	simm.s32 @!p1 $0xC7;
	p1 =	sgt.s32 s9, $0xB  }
0x12: {  	s25 =	sand.u32 s25, s10;
	s29 =	sand.u32 s27, s11;
	s27 =	sshll.u32 s10, $0x7  }
0x13: {  	s22 =	sand.u32 $0x3C00, s22;
	s21 =	sadd.s32 s23, s21;
	s26 =	simm.s32 @!p1 $0xB  }
0x14: {  	s28 =	ssub.s32 s24, s25;
	p1 =	sgt.s32 s11, $0x3F80;
	s25 =	smov.u32 s11  }
0x15: {  	s27 =	sand.u32 $0x380, s27;
	s24 =	sadd.s32 $0xFFFFFF39, s28;
	s25 =	simm.s32 @!p1 $0x3F80  }
0x16: {  	s21 =	sshrl.u32 s21, $0xE;
	s23 =	ssub.s32 $0xC8, s28;
	p1 =	sgt.s32 s24, $0x0  }
0x17: {  	s24 =	ssub.s32 s25, s29;
	s25 =	sand.u32 s30, s9;
	s29 =	smulhi.u32 $0x147AE15, s21  }
0x18: {  	s30 =	sand.u32 $0x78, s11;
	s25 =	ssub.s32 s26, s25;
	s23 =	simm.s32 @p1 $0x0  }
0x19: {  	s31 =	sadd.s32 $0xFFFFC080, s24;
	s24 =	ssub.s32 $0x4000, s24;
	s22 =	sor.u32 s30, s22  }
0x1a: {  	p1 =	sgt.s32 s31, $0x7F;
	s28 =	sadd.s32 $0xFFFFFFF5, s25;
	s26 =	smul.u32 $0xC8, s29  }
0x1b: {  	s25 =	ssub.s32 $0x13, s25;
	s31 =	smul.u32 $0x64000, s9;
	s24 =	simm.s32 @p1 $0x0  }
0x1c: {  	s22 =	sor.u32 s27, s22;
	p1 =	sgt.s32 s28, $0x7;
	s23 =	smul.u32 s24, s23  }
0x1d: {  	s22 =	sshrl.u32 s22, $0x3;
	s28 =	sand.u32 $0x7, s11;
	s25 =	simm.s32 @p1 $0x0  }
0x1e: {  	s21 =	ssub.s32 s21, s26;
	s24 =	sadd.s32 s3, s31;
	s23 =	smul.u32 s25, s23  }
0x1f: {  	s29 =	sshll.u32 s28, $0x12;
	s21 =	sshll.u32 s21, $0xB;
	s22 =	sadd.s32 s22, s24  }
0x20: {  	[tilespmem:s20+$0x0 ss:$0x81] =	vst.msk $0xff, v0;
	s31 =	sor.u32 $0x80, s29;
	s21 =	sadd.s32 s21, s22;
	s30 =	sand.u32 $0x3FFFFFFF, s23  }
0x21: {  	[hbm4b:s21+s31] =	stream.strided.scatter [tilespmem:s19], [sflag:$0x2], s30, s8, s31, $0x20;
	[tilespmem:$0x1010] =	vst v63  }
.LBB1_5:
0x22: {  	p1 =	slt.u32 s15, $0x2  }
0x23: {  	p2 =	sgt.s32 @!p1 s18, $0xB  }
0x24: {  	s19 =	smov.u32 s18;
	s20 =	sshra.s32 @!p1 s18, $0x1F;
	p2 =	por !p2, p1  }
0x25: {  	s18 =	sand.u32 @!p1 s20, s18;
	s19 =	simm.s32 @p2 $0xB  }
0x26: {  	s20 =	sshra.s32 @!p1 s17, $0x1F;
	p2 =	sgt.s32 @!p1 s17, $0xC7;
	s18 =	ssub.s32 @!p1 s19, s18  }
0x27: {  	p2 =	por !p2, p1;
	s19 =	smov.u32 s17;
	s17 =	sand.u32 @!p1 s20, s17  }
0x28: {  	s20 =	sshra.s32 @!p1 s16, $0x1F;
	s19 =	simm.s32 @p2 $0xC7;
	p2 =	sgt.s32 @!p1 s16, $0x3F80  }
0x29: {  	s17 =	ssub.s32 @!p1 s19, s17;
	p2 =	por !p2, p1;
	s19 =	smov.u32 s16  }
0x2a: {  	s16 =	sand.u32 @!p1 s20, s16;
	s20 =	sadd.s32 @!p1 $0xFFFFFF39, s17;
	s19 =	simm.s32 @p2 $0x3F80  }
0x2b: {  	p2 =	sgt.s32 @!p1 s20, $0x0;
	s16 =	ssub.s32 @!p1 s19, s16  }
0x2c: {  	s17 =	ssub.s32 @!p1 $0xC8, s17;
	p2 =	por !p2, p1;
	s19 =	sadd.s32 @!p1 $0xFFFFC080, s16  }
0x2d: {  	s17 =	simm.s32 @!p2 $0x0;
	p2 =	sgt.s32 @!p1 s19, $0x7F  }
0x2e: {  	s21 =	smov.u32 s14;
	s16 =	ssub.s32 @!p1 $0x4000, s16;
	p2 =	por !p2, p1  }
0x2f: {  	s20 =	sadd.s32 @!p1 $0xFFFFFFF5, s18;
	s19 =	sadd.s32 $0x8, s12;
	s16 =	simm.s32 @!p2 $0x0  }
0x30: {  	p2 =	sgt.s32 s19, $0x12;
	s16 =	smul.u32 @!p1 s16, s17;
	s17 =	simm.s32 $0x1  }
0x31: {  	p0 =	por !p0, !p0;
	p3 =	sgt.s32 @!p1 s20, $0x7;
	s17 =	simm.s32 @!p2 $0x0  }
0x32: {  	s18 =	ssub.s32 @!p1 $0x13, s18;
	p3 =	por !p3, p1;
	s20 =	sadd.s32 s17, s13  }
0x33: {  	s18 =	simm.s32 @!p3 $0x0;
	s17 =	sadd.s32 $0x1000, s14;
	p3 =	sgt.s32 s20, $0xC7  }
0x34: {  	s22 =	simm.s32 @!p1 $0x2;
	s19 =	simm.s32 @p2 $0x0;
	s21 =	smov.u32 @p3 s17  }
0x35: {  	s16 =	smul.u32 @!p1 s18, s16;
	s18 =	smov.u32 s9;
	p2 =	sgt.s32 s21, $0x3FFF  }
0x36: {  	s9 =	smov.u32 s12;
	s21 =	smov.u32 @p2 s2;
	p2 =	sne.s32 s15, s7  }
.Ltmp1:
0x37: {  	s12 =	smov.u32 s19;
	s16 =	sand.u32 @!p1 $0x3FFFFFFF, s16;
	(pc) =	sbr.rel @!p2 .LBB1_6-.Ltmp1, $4  }
0x38: {  	s20 =	simm.s32 @p3 $0x0;
	s17 =	smov.u32 s10;
	s10 =	smov.u32 s13  }
0x39: {  	_ =	swait.ge @!p1 [sflag:s22], s16;
	s23 =	ssub.s32 @!p1 $0x0, s16;
	s16 =	smov.u32 s11  }
0x3a: {  	s11 =	smov.u32 s14;
	s13 =	smov.u32 s20;
	[sflag:s22] =	ssyncset.done @!p1 $0x0  }
0x3b: {  	s15 =	sadd.s32 $0x1, s15;
	[sflag:s22] =	ssyncadd.s32 @!p1 s23;
	s14 =	smov.u32 s21  }
.LBB1_1:
0x3c: {  	p1 =	sge.u32 s15, s5  }
0x3d: {  	s19 =	sshll.u32 @!p1 s13, $0x7;
	s20 =	sshll.u32 @!p1 s12, $0x3  }
0x3e: {  	s21 =	sand.u32 @!p1 $0xFFFFFC00, s19;
	s20 =	sand.u32 @!p1 $0xFFFFFC00, s20  }
0x3f: {  	s19 =	sand.u32 @!p1 $0x380, s19;
	s20 =	sadd.s32 @!p1 s21, s20  }
0x40: {  	s19 =	sor.u32 @!p1 s19, s20  }
0x41: {  	s19 =	sshrl.u32 @!p1 s19, $0x7  }
0x42: {  	s20 =	smulhi.u32 @!p1 $0x147AE15, s19;
	_ =	sdelay $0x1  }
0x43: {  	s20 =	smul.u32 @!p1 $0xC8, s20  }
0x44: {  	s21 =	smul.u32 @!p1 $0xC80, s14  }
0x45: {  	s31 =	sadd.s32 $0xFFFFFFFF, s15;
	s19 =	ssub.s32 @!p1 s19, s20;
	s20 =	sshrl.u32 @!p1 s12, $0x3  }
0x46: {  	s22 =	sxor.u32 @!p1 $0xFFFFFFFF, s15;
	s21 =	sadd.s32 @!p1 s6, s21;
	s20 =	sand.u32 @!p1 $0xF, s20  }
0x47: {  	s22 =	sshll.u32 @!p1 s22, $0xA;
	s20 =	sadd.s32 @!p1 s20, s21;
	s21 =	sand.u32 @!p1 $0x7, s12  }
0x48: {  	s22 =	sand.u32 @!p1 $0x400, s22;
	s19 =	sshll.u32 @!p1 s19, $0x4;
	s21 =	sshll.u32 @!p1 s21, $0x12  }
0x49: {  	s19 =	sadd.s32 @!p1 s19, s20;
	s20 =	sor.u32 @!p1 $0x8, s21;
	s21 =	simm.s32 @!p1 $0x6400  }
0x4a: {  	[tilespmem:s22], [sflag:$0x1] =	stream.strided.gather @!p1 [hbm4b:s19+s20], $0x400, s21, s20, $0x38;
	[tilespmem:$0x1010] =	vst v63  }
0x4b: {  	p1 =	sge.u32 s31, s5  }
.Ltmp2:
0x4c: {  	_ = 	snop;
	(pc) =	sbr.rel @p1 .LBB1_5-.Ltmp2, $1  }
0x4d: {  	_ =	sdelay $0x3  }
0x4e: {  	s19 =	simm.s32 $0x1  }
0x4f: {  	s19 =	simm.s32 @!p0 $0x0  }
0x50: {  	s20 =	sshll.u32 s19, $0xA  }
0x51: {  	v1 =	vmov s20;
	_ =	sdelay $0x1  }
0x52: {  	_ =	swait.ge [sflag:s4], $0x400  }
0x53: {  	s31 =	sand.u32 $0x1, s15;
	[sflag:s4] =	ssyncset.done $0x0  }
0x54: {  	s22 =	simm.s32 $0x0;
	s19 =	smul.u32 $0x1020, s19;
	[sflag:s4] =	ssyncadd.s32 $0xFFFFFC00  }
0x55: {  	s20 =	smul.u32 $0x1020, s31;
	v0 =	vld.idx.msk [tilespmem:v1+s22+$0x0 ss:$0x1], $0xff;
	_ =	sdelay $0x1  }
0x56: {  	s19 =	sshrl.u32 s19, $0x2;
	s21 =	sshrl.u32 s20, $0x2  }
0x57: {  	s20 =	sor.u32 $0x800, s19;
	s19 =	sor.u32 $0x800, s21;
	s21 =	simm.s32 $0x20  }
.LBB1_3:
0x58: {  	s22 =	sshra.s32 s21, $0x2;
	p1 =	sne.s32 s21, $0xFE0;
	s21 =	sadd.s32 $0x20, s21  }
.Ltmp3:
0x59: {  	[tilespmem:s20+$0x0 ss:$0x81] =	vst.msk $0xff, v0;
	v0 =	vld.idx.msk [tilespmem:v1+s22+$0x0 ss:$0x1], $0xff;
	(pc) =	sbr.rel @p1 .LBB1_3-.Ltmp3, $2  }
0x5a: {  	_ =	sdelay $0x2  }
0x5b: {  	s20 =	sadd.s32 $0x1, s20  }
.Ltmp4:
0x5c: {  	_ = 	snop;
	(pc) =	sbr.rel .LBB1_4-.Ltmp4, $1  }
0x5d: {  	_ =	sdelay $0x3  }
.LBB1_6:
0x5e: {  	_ =	sfence.sel $0x180000  }
0x5f: {  	s2 =	simm.s32 $0x1;
	[bflag:$0x0] =	sbarrier.arrive $0xFFFF  }
0x60: {  	s31 =	simm.s32 $0x2;
	[sflag:s2] =	ssyncpa.u1 $0x1  }
0x61: {  	[sflag:s31] =	ssyncpa.u1 $0x1  }
0x62: {  	p0 =	sne.s32 s0, $0x0;
	_ =	strace $0x9000004A  }
0x63: {  	s0 =	sadd.s32 @!p0 $0x100000, s1;
	[bflag:$0x2] =	sbarrier.arrive $0xFFFF  }
0x64: {  	[sflag:s0] =	ssyncadd.tile.s32 @!p0 $0x1;
	_ =	shalt  }
.Lfunc_end1:
_tile_overlayer_lowered:
.L_overlay_start_2:
0x65: {  	(tag) =	ssettag $0x2  }
0x66: {  	s0 =	rddreg [dreg:$0x0];
	s2 =	stileid.u32  }
0x67: {  	s1 =	rddreg [dreg:$0x1];
	p0 =	sne.s32 s2, $0x0  }
0x68: {  	s3 =	rddreg [dreg:$0x2];
	[bflag:$0x3] =	sbarrier.arrive $0xFFFF;
	s2 =	simm.s32 @!p0 $0x1C01  }
0x69: {  	[timem:s3], [sflag:s2] =	dma.local @!p0 [hbm:s0], s1  }
0x6a: {  	s0 =	simm.s32 @!p0 $0x1  }
0x6b: {  	_ =	swait.ge @!p0 [sflag:s0], s1  }
0x6c: {  	s1 =	ssub.s32 @!p0 $0x0, s1;
	[sflag:s0] =	ssyncset.done @!p0 $0x0  }
0x6d: {  	[sflag:s0] =	ssyncadd.s32 @!p0 s1  }
0x6e: {  	[bflag:$0x3] =	sbarrier.arrive $0xFFFF  }
0x6f: {  	_ =	shalt  }

</sc_bundles>
